<compile_context>
chip_gen: v7x
topology: tpu7x:2x2x1
jax: 0.10.2.dev20260603
libtpu: 0.0.44.dev20260713+nightly
codegen_flags: <defaults>
</compile_context>

<pallas_src>
import functools

import jax
import jax.numpy as jnp
from jax import lax
from jax.experimental import pallas as pl
from jax.experimental.pallas import tpu as pltpu
from jax.experimental.pallas import tpu_sc as plsc

DECAY = 0.99
THRESH = 1.0

_PREC = lax.Precision.DEFAULT


def _prep(flat, W_pred, write_idx, strength, BUF, S, blk=256):
    D = flat.shape[1]
    nblk = S // blk
    w_row = write_idx.reshape(1, S)
    w_col = write_idx.reshape(S, 1)
    s_row = strength.reshape(1, BUF)

    def body(x_ref, w_ref, wr_ref, wcb_ref, wcf_ref, s_ref,
             u_ref, dst_ref, msk_ref, b_ref):
        pid = pl.program_id(0)
        xb = x_ref[...]
        pred = jnp.dot(xb, w_ref[...], preferred_element_type=jnp.float32,
                       precision=_PREC)
        surprise = jnp.mean((xb - pred) ** 2, axis=1, keepdims=True)
        gate = jax.nn.sigmoid(surprise - THRESH)
        u_ref[...] = (gate * xb).T
        widx_row = wr_ref[...]
        wblk_col = wcb_ref[...]
        wcol_full = wcf_ref[...]
        tblk_col = pid * blk + lax.broadcasted_iota(jnp.int32, (blk, 1), 0)
        tok_row = lax.broadcasted_iota(jnp.int32, (blk, S), 1)
        dup = (wblk_col == widx_row) & (tok_row > tblk_col)
        winner = jnp.logical_not(jnp.any(dup, axis=1, keepdims=True))
        dst_ref[...] = jnp.where(winner, wblk_col, BUF + tblk_col)
        slots_col = tblk_col
        eq_c = widx_row == slots_col
        msk_ref[...] = jnp.any(eq_c, axis=1, keepdims=True).astype(
            jnp.float32)
        slots_row = pid * blk + lax.broadcasted_iota(jnp.int32, (1, blk), 1)
        eq_r = wcol_full == slots_row
        written_r = jnp.any(eq_r, axis=0, keepdims=True)
        ns = jnp.where(written_r, 1.0, s_ref[...] * DECAY)
        b_ref[...] = jnp.log(ns + 1e-6)

    uT, dst, msk, bias = pl.pallas_call(
        body,
        grid=(nblk,),
        in_specs=[
            pl.BlockSpec((blk, D), lambda i: (i, 0)),
            pl.BlockSpec((D, D), lambda i: (0, 0)),
            pl.BlockSpec((1, S), lambda i: (0, 0)),
            pl.BlockSpec((blk, 1), lambda i: (i, 0)),
            pl.BlockSpec((S, 1), lambda i: (0, 0)),
            pl.BlockSpec((1, blk), lambda i: (0, i)),
        ],
        out_specs=[
            pl.BlockSpec((D, blk), lambda i: (0, i)),
            pl.BlockSpec((blk, 1), lambda i: (i, 0)),
            pl.BlockSpec((blk, 1), lambda i: (i, 0)),
            pl.BlockSpec((1, blk), lambda i: (0, i)),
        ],
        out_shape=[
            jax.ShapeDtypeStruct((D, S), jnp.float32),
            jax.ShapeDtypeStruct((S, 1), jnp.int32),
            jax.ShapeDtypeStruct((BUF, 1), jnp.float32),
            jax.ShapeDtypeStruct((1, BUF), jnp.float32),
        ],
    )(flat, W_pred, w_row, w_col, w_col, s_row)
    return uT, dst.reshape(S), msk, bias


_SC_MESH = dict(core_axis_name="c", subcore_axis_name="s",
                num_cores=2, num_subcores=16)
_SC_PARAMS = dict(needs_layout_passes=False, use_tc_tiling_on_sc=False)


def _sc_scatter_nb(flat, dst_idx, BUF, D, S):
    NC, NS = 2, 16
    NW = NC * NS
    TPW = S // NW
    TSUB = 16

    @functools.partial(
        pl.kernel,
        out_type=jax.ShapeDtypeStruct((2 * BUF, D), jnp.float32),
        mesh=plsc.VectorSubcoreMesh(**_SC_MESH),
        compiler_params=pltpu.CompilerParams(needs_layout_passes=False),
        scratch_types=(
            pltpu.VMEM((TSUB,), jnp.int32),
            pltpu.VMEM((TSUB, D), jnp.float32),
            pltpu.SemaphoreType.DMA,
        ),
    )
    def body(flat_h, didx_h, nb_h, didx_v, rows_v, sem):
        c = lax.axis_index("c")
        s = lax.axis_index("s")
        wid = s * NC + c
        for g in range(TPW // TSUB):
            tb = wid * TPW + g * TSUB
            pltpu.sync_copy(flat_h.at[pl.ds(tb, TSUB)], rows_v)
            pltpu.sync_copy(didx_h.at[pl.ds(tb, TSUB)], didx_v)
            pltpu.async_copy(rows_v, nb_h.at[didx_v], sem).wait()

    return body(flat, dst_idx)


def _sc_delta(uT, store_idx, zeros, STORE, D, S):
    NC, NS = 2, 16
    NW = NC * NS
    NCH = D // 16
    CPW = NCH // NW

    @functools.partial(
        pl.kernel,
        out_type=jax.ShapeDtypeStruct((STORE, D), jnp.float32),
        mesh=plsc.VectorSubcoreMesh(**_SC_MESH),
        compiler_params=pltpu.CompilerParams(**_SC_PARAMS),
        scratch_types=(
            pltpu.VMEM((S,), jnp.int32),
            pltpu.VMEM((16, S), jnp.float32),
            pltpu.VMEM((STORE, 16), jnp.float32),
        ),
    )
    def body(u_h, sidx_h, zeros_h, delta_h, sidx_v, u_v, acc_v):
        c = lax.axis_index("c")
        s = lax.axis_index("s")
        wid = s * NC + c
        pltpu.sync_copy(sidx_h, sidx_v)
        for p in range(CPW):
            ch = wid * CPW + p
            pltpu.sync_copy(zeros_h, acc_v)
            pltpu.sync_copy(u_h.at[pl.ds(ch * 16, 16)], u_v)

            @plsc.parallel_loop(0, S // 16, unroll=4)
            def tok_body(g):
                tb = g * 16
                st16 = sidx_v[pl.ds(tb, 16)]
                for col in range(16):
                    vals = u_v[col, pl.ds(tb, 16)]
                    plsc.addupdate_scatter(
                        acc_v, [st16, jnp.full((16,), col, jnp.int32)], vals)
            pltpu.sync_copy(acc_v, delta_h.at[:, pl.ds(ch * 16, 16)])

    return body(uT, store_idx, zeros)


def _buffer_attn(flat, nb2, buffer_mem, msk, bias2, blk=256):
    S, D = flat.shape
    BUF = buffer_mem.shape[0]
    scale = 1.0 / (D ** 0.5)

    def body(x_ref, nb_ref, bm_ref, m_ref, b_ref, o_ref):
        xb = x_ref[...]
        nbv = jnp.where(m_ref[...] > 0.0, nb_ref[...], bm_ref[...])
        logits = lax.dot_general(xb, nbv, (((1,), (1,)), ((), ())),
                                 preferred_element_type=jnp.float32,
                                 precision=_PREC) * scale + b_ref[...]
        m = jnp.max(logits, axis=1, keepdims=True)
        p = jnp.exp(logits - m)
        attn = p / jnp.sum(p, axis=1, keepdims=True)
        o_ref[...] = jnp.dot(attn, nbv, preferred_element_type=jnp.float32,
                             precision=_PREC)

    return pl.pallas_call(
        body,
        grid=(S // blk,),
        in_specs=[
            pl.BlockSpec((blk, D), lambda i: (i, 0)),
            pl.BlockSpec((BUF, D), lambda i: (0, 0)),
            pl.BlockSpec((BUF, D), lambda i: (0, 0)),
            pl.BlockSpec((BUF, 1), lambda i: (0, 0)),
            pl.BlockSpec((1, BUF), lambda i: (0, 0)),
        ],
        out_specs=pl.BlockSpec((blk, D), lambda i: (i, 0)),
        out_shape=jax.ShapeDtypeStruct((S, D), jnp.float32),
    )(flat, nb2, buffer_mem, msk, bias2)


def _store_attn(flat, keys, values, delta, kblk=512):
    S, D = flat.shape
    STORE = keys.shape[0]
    scale = 1.0 / (D ** 0.5)
    nk = STORE // kblk

    def body(x_ref, k_ref, v_ref, d_ref, o_ref, acc_ref, m_ref, l_ref):
        k = pl.program_id(0)

        @pl.when(k == 0)
        def _():
            m_ref[...] = jnp.full((S, 128), -1e30, jnp.float32)
            l_ref[...] = jnp.zeros((S, 128), jnp.float32)
            acc_ref[...] = jnp.zeros((S, D), jnp.float32)

        xb = x_ref[...]
        dlt = d_ref[...]
        kk = k_ref[...] + dlt
        s = lax.dot_general(xb, kk, (((1,), (1,)), ((), ())),
                            preferred_element_type=jnp.float32,
                            precision=_PREC) * scale
        m_old = m_ref[...][:, :1]
        m_new = jnp.maximum(m_old, jnp.max(s, axis=1, keepdims=True))
        alpha = jnp.exp(m_old - m_new)
        p = jnp.exp(s - m_new)
        l_new = l_ref[...][:, :1] * alpha + jnp.sum(p, axis=1, keepdims=True)
        acc_ref[...] = acc_ref[...] * alpha + jnp.dot(
            p, v_ref[...] + dlt, preferred_element_type=jnp.float32,
            precision=_PREC)
        m_ref[...] = jnp.broadcast_to(m_new, (S, 128))
        l_ref[...] = jnp.broadcast_to(l_new, (S, 128))

        @pl.when(k == nk - 1)
        def _():
            o_ref[...] = acc_ref[...] / l_ref[...][:, :1]

    return pl.pallas_call(
        body,
        grid=(nk,),
        in_specs=[
            pl.BlockSpec((S, D), lambda j: (0, 0)),
            pl.BlockSpec((kblk, D), lambda j: (j, 0)),
            pl.BlockSpec((kblk, D), lambda j: (j, 0)),
            pl.BlockSpec((kblk, D), lambda j: (j, 0)),
        ],
        out_specs=pl.BlockSpec((S, D), lambda j: (0, 0)),
        out_shape=jax.ShapeDtypeStruct((S, D), jnp.float32),
        scratch_shapes=[
            pltpu.VMEM((S, D), jnp.float32),
            pltpu.VMEM((S, 128), jnp.float32),
            pltpu.VMEM((S, 128), jnp.float32),
        ],
    )(flat, keys, values, delta)


def _mlp_out(flat, br, sr, W_g1, b_g1, w20, w21, b_g2, W_out, b_out,
             ln_g, ln_b, blk=256):
    S, D = flat.shape

    def body(x_ref, br_ref, sr_ref, w1_ref, b1_ref, w20_ref, w21_ref,
             b2_ref, wo_ref, bo_ref, lg_ref, lb_ref, o_ref):
        xb = x_ref[...]
        brv = br_ref[...]
        srv = sr_ref[...]
        h = (jnp.dot(xb, w1_ref[0:D, :], preferred_element_type=jnp.float32,
                     precision=_PREC)
             + jnp.dot(brv, w1_ref[D:2 * D, :],
                       preferred_element_type=jnp.float32, precision=_PREC)
             + jnp.dot(srv, w1_ref[2 * D:3 * D, :],
                       preferred_element_type=jnp.float32, precision=_PREC)
             + b1_ref[...])
        h = jax.nn.gelu(h)
        g0 = jax.nn.sigmoid(
            jnp.sum(h * w20_ref[...], axis=1, keepdims=True) + b2_ref[0])
        g1 = jax.nn.sigmoid(
            jnp.sum(h * w21_ref[...], axis=1, keepdims=True) + b2_ref[1])
        mc = g0 * brv + g1 * srv
        mu = jnp.mean(mc, axis=1, keepdims=True)
        var = jnp.mean((mc - mu) ** 2, axis=1, keepdims=True)
        normed = (mc - mu) * lax.rsqrt(var + 1e-5) * lg_ref[...] + lb_ref[...]
        o_ref[...] = xb + jnp.dot(normed, wo_ref[...],
                                  preferred_element_type=jnp.float32,
                                  precision=_PREC) + bo_ref[...]

    return pl.pallas_call(
        body,
        grid=(S // blk,),
        in_specs=[
            pl.BlockSpec((blk, D), lambda i: (i, 0)),
            pl.BlockSpec((blk, D), lambda i: (i, 0)),
            pl.BlockSpec((blk, D), lambda i: (i, 0)),
            pl.BlockSpec((3 * D, D), lambda i: (0, 0)),
            pl.BlockSpec((1, D), lambda i: (0, 0)),
            pl.BlockSpec((1, D), lambda i: (0, 0)),
            pl.BlockSpec((1, D), lambda i: (0, 0)),
            pl.BlockSpec(memory_space=pltpu.SMEM),
            pl.BlockSpec((D, D), lambda i: (0, 0)),
            pl.BlockSpec((1, D), lambda i: (0, 0)),
            pl.BlockSpec((1, D), lambda i: (0, 0)),
            pl.BlockSpec((1, D), lambda i: (0, 0)),
        ],
        out_specs=pl.BlockSpec((blk, D), lambda i: (i, 0)),
        out_shape=jax.ShapeDtypeStruct((S, D), jnp.float32),
    )(flat, br, sr, W_g1, b_g1, w20, w21, b_g2, W_out, b_out, ln_g, ln_b)


def kernel(x, W_pred, buffer_mem, buffer_strength, store_keys, store_values,
           W_g1, b_g1, W_g2, b_g2, W_out, b_out, ln_g, ln_b,
           write_idx, store_idx):
    B, S, D = x.shape
    BUF = buffer_mem.shape[0]
    STORE = store_keys.shape[0]
    NCH = D // 16

    flat = x.reshape(S, D)
    write_idx = write_idx.astype(jnp.int32)
    store_idx = store_idx.astype(jnp.int32)

    uT, dst_idx, msk, bias = _prep(flat, W_pred, write_idx,
                                   buffer_strength, BUF, S)
    zeros = jnp.zeros((STORE, 16), jnp.float32)
    nb2 = _sc_scatter_nb(flat, dst_idx, BUF, D, S)
    delta = _sc_delta(uT, store_idx, zeros, STORE, D, S)
    br = _buffer_attn(flat, nb2, buffer_mem, msk, bias)
    sr = _store_attn(flat, store_keys, store_values, delta)
    out = _mlp_out(flat, br, sr, W_g1, b_g1.reshape(1, D),
                   W_g2[:, 0].reshape(1, D), W_g2[:, 1].reshape(1, D),
                   b_g2, W_out, b_out.reshape(1, D), ln_g.reshape(1, D),
                   ln_b.reshape(1, D))
    return out.reshape(B, S, D)

# --- scband reference (transcript-rebuilt; emitter-appended) ---
"""Pipeline reference for scband-dual-memory-layer-74586402063013 (READ-ONLY COPY).

The authoritative reference and input builder live on the scoring server;
editing this copy changes nothing except your own understanding.
"""

import jax, jax.numpy as jnp
import numpy as np

B, S, HID = 1, 2048, 1024
BUF, STORE = 2048, 4096
DECAY = 0.99
THRESH = 1.0

def setup_inputs(seed: int = 0) -> dict:
    key = jax.random.key(seed)
    ks = jax.random.split(key, 12)
    x = jax.random.normal(ks[0], (B, S, HID), dtype=jnp.float32)
    write_idx = jax.random.randint(ks[1], (B * S,), 0, BUF)
    store_idx = jax.random.randint(ks[2], (B * S,), 0, STORE)
    W_pred = jax.random.normal(ks[3], (HID, HID), dtype=jnp.float32) * 0.02
    buffer_mem = jax.random.normal(ks[4], (BUF, HID), dtype=jnp.float32) * 0.02
    buffer_strength = jax.random.uniform(ks[5], (BUF,), dtype=jnp.float32)
    store_keys = jax.random.normal(ks[6], (STORE, HID), dtype=jnp.float32) * 0.02
    store_values = jax.random.normal(ks[7], (STORE, HID), dtype=jnp.float32) * 0.02
    W_g1 = jax.random.normal(ks[8], (3 * HID, HID), dtype=jnp.float32) * 0.02
    b_g1 = jnp.zeros((HID,), dtype=jnp.float32)
    W_g2 = jax.random.normal(ks[9], (HID, 2), dtype=jnp.float32) * 0.02
    b_g2 = jnp.zeros((2,), dtype=jnp.float32)
    W_out = jax.random.normal(ks[10], (HID, HID), dtype=jnp.float32) * 0.01
    b_out = jnp.zeros((HID,), dtype=jnp.float32)
    ln_g = jnp.ones((HID,), dtype=jnp.float32)
    ln_b = jnp.zeros((HID,), dtype=jnp.float32)
    return {"x": x, "W_pred": W_pred, "buffer_mem": buffer_mem,
            "buffer_strength": buffer_strength, "store_keys": store_keys,
            "store_values": store_values, "W_g1": W_g1, "b_g1": b_g1,
            "W_g2": W_g2, "b_g2": b_g2, "W_out": W_out, "b_out": b_out,
            "ln_g": ln_g, "ln_b": ln_b,
            "write_idx": write_idx, "store_idx": store_idx}

def reference(x, W_pred, buffer_mem, buffer_strength, store_keys, store_values,
              W_g1, b_g1, W_g2, b_g2, W_out, b_out, ln_g, ln_b,
              write_idx, store_idx):
    d = x.shape[-1]
    scale = 1.0 / jnp.sqrt(jnp.float32(d))
    # --- surprise computation (SurpriseGatedStore.compute_surprise) ---
    prediction = jnp.einsum('bsd,de->bse', x, W_pred)
    surprise = jnp.mean((x - prediction) ** 2, axis=-1)  # [B, S]
    flat = x.reshape(-1, d)
    s_flat = surprise.reshape(-1)
    # --- buffer decay + write (scatter-overwrite) ---
    new_strength = buffer_strength * DECAY
    new_buffer = buffer_mem.at[write_idx].set(flat)
    new_strength = new_strength.at[write_idx].set(1.0)
    # --- surprise-gated store write (scatter-add) ---
    gate_w = jax.nn.sigmoid(s_flat - THRESH)
    new_store_keys = store_keys.at[store_idx].add(gate_w[:, None] * flat)
    new_store_values = store_values.at[store_idx].add(gate_w[:, None] * flat)
    # --- buffer read (attention over slots, strength-biased) ---
    logits_b = jnp.einsum('bsd,md->bsm', x, new_buffer) * scale \
        + jnp.log(new_strength + 1e-6)[None, None, :]
    attn_b = jax.nn.softmax(logits_b, axis=-1)
    buffer_retrieved = jnp.einsum('bsm,md->bsd', attn_b, new_buffer)
    # --- store read ---
    logits_s = jnp.einsum('bsd,md->bsm', x, new_store_keys) * scale
    attn_s = jax.nn.softmax(logits_s, axis=-1)
    store_retrieved = jnp.einsum('bsm,md->bsd', attn_s, new_store_values)
    # --- read gate MLP ---
    gate_input = jnp.concatenate([x, buffer_retrieved, store_retrieved], axis=-1)
    h = jax.nn.gelu(jnp.einsum('bsd,de->bse', gate_input, W_g1) + b_g1)
    gates = jax.nn.sigmoid(jnp.einsum('bsd,de->bse', h, W_g2) + b_g2)
    memory_content = gates[..., 0:1] * buffer_retrieved + gates[..., 1:2] * store_retrieved
    # --- layernorm + out proj + residual ---
    mu = jnp.mean(memory_content, axis=-1, keepdims=True)
    var = jnp.var(memory_content, axis=-1, keepdims=True)
    normed = (memory_content - mu) / jnp.sqrt(var + 1e-5) * ln_g + ln_b
    memory_contribution = jnp.einsum('bsd,de->bse', normed, W_out) + b_out
    output = x + memory_contribution
    return output

if __name__ == "__main__":
    import jax
    _d = setup_inputs()
    print(jax.jit(kernel)(*tuple(_d.values())))

</pallas_src>

<mosaic_0001>
#map = affine_map<(d0, d1) -> (0, 0)>
#map1 = affine_map<(d0, d1) -> (0)>
module attributes {stable_mosaic.version = 14 : i64} {
  func.func @body(%arg0: i32, %arg1: i32, %arg2: memref<2048x1024xf32, #tpu.memory_space<hbm>>, %arg3: memref<2048xi32, #tpu.memory_space<hbm>>, %arg4: memref<4096x1024xf32, #tpu.memory_space<hbm>>, %arg5: memref<16xi32, #tpu.memory_space<vmem>>, %arg6: memref<16x1024xf32, #tpu.memory_space<vmem>>, %arg7: memref<!tpu.dma_semaphore, #tpu.memory_space<semaphore_mem>>) attributes {dimension_semantics = [#tpu.dimension_semantics<core_parallel>, #tpu.dimension_semantics<subcore_parallel>], iteration_bounds = array<i64: 2, 16>, scalar_prefetch = 0 : i64, scratch_operands = 3 : i64, tpu.core_type = #tpu.core_type<sc_vector_subcore>, window_params = [{transform_indices = #map}, {transform_indices = #map1}, {transform_indices = #map}]} {
    %mul3A = arith.constant 2 : i32
    %mul3A_0 = arith.muli %arg1, %mul3A : i32
    %add3A = arith.addi %mul3A_0, %arg0 : i32
    %mul3A_1 = arith.constant 64 : i32
    %mul3A_2 = arith.muli %add3A, %mul3A_1 : i32
    %add3A_3 = arith.constant 0 : i32
    %add3A_4 = arith.addi %mul3A_2, %add3A_3 : i32
    "tpu.region"() ({
      %run_scoped3A = tpu.sem_alloc : memref<!tpu.dma_semaphore, #tpu.memory_space<semaphore_mem>>
      %dma_start3A_39 = arith.constant 0 : i32
      %dma_start3A_40 = tpu.memref_slice %arg2[%add3A_4, %dma_start3A_39] : memref<2048x1024xf32, #tpu.memory_space<hbm>> -> memref<16x1024xf32, #tpu.memory_space<hbm>>
      %dma_start3A_41 = arith.constant 0 : i32
      %dma_start3A_42 = tpu.memref_slice %arg2[%add3A_4, %dma_start3A_41] : memref<2048x1024xf32, #tpu.memory_space<hbm>> -> memref<16x1024xf32, #tpu.memory_space<hbm>>
      tpu.enqueue_dma source(%dma_start3A_42 : memref<16x1024xf32, #tpu.memory_space<hbm>>) target(%arg6 : memref<16x1024xf32, #tpu.memory_space<vmem>>) target_semaphore(%run_scoped3A : memref<!tpu.dma_semaphore, #tpu.memory_space<semaphore_mem>>)
      %dma_wait3A_43 = arith.constant 0 : i32
      %dma_wait3A_44 = tpu.memref_slice %arg2[%add3A_4, %dma_wait3A_43] : memref<2048x1024xf32, #tpu.memory_space<hbm>> -> memref<16x1024xf32, #tpu.memory_space<hbm>>
      %dma_wait3A_45 = arith.constant 0 : i32
      %dma_wait3A_46 = tpu.memref_slice %arg2[%add3A_4, %dma_wait3A_45] : memref<2048x1024xf32, #tpu.memory_space<hbm>> -> memref<16x1024xf32, #tpu.memory_space<hbm>>
      tpu.wait_dma2 semaphore(%run_scoped3A : memref<!tpu.dma_semaphore, #tpu.memory_space<semaphore_mem>>) src(%dma_wait3A_46 : memref<16x1024xf32, #tpu.memory_space<hbm>>) dst(%arg6 : memref<16x1024xf32, #tpu.memory_space<vmem>>)
      tpu.yield
    }) : () -> ()
    "tpu.region"() ({
      %run_scoped3A = tpu.sem_alloc : memref<!tpu.dma_semaphore, #tpu.memory_space<semaphore_mem>>
      %dma_start3A_39 = tpu.memref_slice %arg3[%add3A_4] : memref<2048xi32, #tpu.memory_space<hbm>> -> memref<16xi32, #tpu.memory_space<hbm>>
      %dma_start3A_40 = tpu.memref_slice %arg3[%add3A_4] : memref<2048xi32, #tpu.memory_space<hbm>> -> memref<16xi32, #tpu.memory_space<hbm>>
      tpu.enqueue_dma source(%dma_start3A_40 : memref<16xi32, #tpu.memory_space<hbm>>) target(%arg5 : memref<16xi32, #tpu.memory_space<vmem>>) target_semaphore(%run_scoped3A : memref<!tpu.dma_semaphore, #tpu.memory_space<semaphore_mem>>)
      %dma_wait3A_41 = tpu.memref_slice %arg3[%add3A_4] : memref<2048xi32, #tpu.memory_space<hbm>> -> memref<16xi32, #tpu.memory_space<hbm>>
      %dma_wait3A_42 = tpu.memref_slice %arg3[%add3A_4] : memref<2048xi32, #tpu.memory_space<hbm>> -> memref<16xi32, #tpu.memory_space<hbm>>
      tpu.wait_dma2 semaphore(%run_scoped3A : memref<!tpu.dma_semaphore, #tpu.memory_space<semaphore_mem>>) src(%dma_wait3A_42 : memref<16xi32, #tpu.memory_space<hbm>>) dst(%arg5 : memref<16xi32, #tpu.memory_space<vmem>>)
      tpu.yield
    }) : () -> ()
    %dma_start3A = arith.constant 0 : i32
    %dma_start3A_5 = arith.constant 0 : i32
    %dma_start3A_6 = tpu.memref_slice %arg4[%dma_start3A, %dma_start3A_5] : memref<4096x1024xf32, #tpu.memory_space<hbm>> -> memref<4096x1024xf32, #tpu.memory_space<hbm>>
    tpu.enqueue_indirect_dma source(%arg6 : memref<16x1024xf32, #tpu.memory_space<vmem>>) target(%dma_start3A_6 : memref<4096x1024xf32, #tpu.memory_space<hbm>>) offsets(%arg5 : memref<16xi32, #tpu.memory_space<vmem>>) semaphore(%arg7 : memref<!tpu.dma_semaphore, #tpu.memory_space<semaphore_mem>>)
    %dma_wait3A = arith.constant 0 : i32
    %dma_wait3A_7 = arith.constant 0 : i32
    %dma_wait3A_8 = tpu.memref_slice %arg4[%dma_wait3A, %dma_wait3A_7] : memref<4096x1024xf32, #tpu.memory_space<hbm>> -> memref<4096x1024xf32, #tpu.memory_space<hbm>>
    tpu.wait_indirect_dma semaphore(%arg7 : memref<!tpu.dma_semaphore, #tpu.memory_space<semaphore_mem>>) src(%arg6 : memref<16x1024xf32, #tpu.memory_space<vmem>>) dst(%dma_wait3A_8 : memref<4096x1024xf32, #tpu.memory_space<hbm>>)
    %mul3A_9 = arith.constant 64 : i32
    %mul3A_10 = arith.muli %add3A, %mul3A_9 : i32
    %add3A_11 = arith.constant 16 : i32
    %add3A_12 = arith.addi %mul3A_10, %add3A_11 : i32
    "tpu.region"() ({
      %run_scoped3A = tpu.sem_alloc : memref<!tpu.dma_semaphore, #tpu.memory_space<semaphore_mem>>
      %dma_start3A_39 = arith.constant 0 : i32
      %dma_start3A_40 = tpu.memref_slice %arg2[%add3A_12, %dma_start3A_39] : memref<2048x1024xf32, #tpu.memory_space<hbm>> -> memref<16x1024xf32, #tpu.memory_space<hbm>>
      %dma_start3A_41 = arith.constant 0 : i32
      %dma_start3A_42 = tpu.memref_slice %arg2[%add3A_12, %dma_start3A_41] : memref<2048x1024xf32, #tpu.memory_space<hbm>> -> memref<16x1024xf32, #tpu.memory_space<hbm>>
      tpu.enqueue_dma source(%dma_start3A_42 : memref<16x1024xf32, #tpu.memory_space<hbm>>) target(%arg6 : memref<16x1024xf32, #tpu.memory_space<vmem>>) target_semaphore(%run_scoped3A : memref<!tpu.dma_semaphore, #tpu.memory_space<semaphore_mem>>)
      %dma_wait3A_43 = arith.constant 0 : i32
      %dma_wait3A_44 = tpu.memref_slice %arg2[%add3A_12, %dma_wait3A_43] : memref<2048x1024xf32, #tpu.memory_space<hbm>> -> memref<16x1024xf32, #tpu.memory_space<hbm>>
      %dma_wait3A_45 = arith.constant 0 : i32
      %dma_wait3A_46 = tpu.memref_slice %arg2[%add3A_12, %dma_wait3A_45] : memref<2048x1024xf32, #tpu.memory_space<hbm>> -> memref<16x1024xf32, #tpu.memory_space<hbm>>
      tpu.wait_dma2 semaphore(%run_scoped3A : memref<!tpu.dma_semaphore, #tpu.memory_space<semaphore_mem>>) src(%dma_wait3A_46 : memref<16x1024xf32, #tpu.memory_space<hbm>>) dst(%arg6 : memref<16x1024xf32, #tpu.memory_space<vmem>>)
      tpu.yield
    }) : () -> ()
    "tpu.region"() ({
      %run_scoped3A = tpu.sem_alloc : memref<!tpu.dma_semaphore, #tpu.memory_space<semaphore_mem>>
      %dma_start3A_39 = tpu.memref_slice %arg3[%add3A_12] : memref<2048xi32, #tpu.memory_space<hbm>> -> memref<16xi32, #tpu.memory_space<hbm>>
      %dma_start3A_40 = tpu.memref_slice %arg3[%add3A_12] : memref<2048xi32, #tpu.memory_space<hbm>> -> memref<16xi32, #tpu.memory_space<hbm>>
      tpu.enqueue_dma source(%dma_start3A_40 : memref<16xi32, #tpu.memory_space<hbm>>) target(%arg5 : memref<16xi32, #tpu.memory_space<vmem>>) target_semaphore(%run_scoped3A : memref<!tpu.dma_semaphore, #tpu.memory_space<semaphore_mem>>)
      %dma_wait3A_41 = tpu.memref_slice %arg3[%add3A_12] : memref<2048xi32, #tpu.memory_space<hbm>> -> memref<16xi32, #tpu.memory_space<hbm>>
      %dma_wait3A_42 = tpu.memref_slice %arg3[%add3A_12] : memref<2048xi32, #tpu.memory_space<hbm>> -> memref<16xi32, #tpu.memory_space<hbm>>
      tpu.wait_dma2 semaphore(%run_scoped3A : memref<!tpu.dma_semaphore, #tpu.memory_space<semaphore_mem>>) src(%dma_wait3A_42 : memref<16xi32, #tpu.memory_space<hbm>>) dst(%arg5 : memref<16xi32, #tpu.memory_space<vmem>>)
      tpu.yield
    }) : () -> ()
    %dma_start3A_13 = arith.constant 0 : i32
    %dma_start3A_14 = arith.constant 0 : i32
    %dma_start3A_15 = tpu.memref_slice %arg4[%dma_start3A_13, %dma_start3A_14] : memref<4096x1024xf32, #tpu.memory_space<hbm>> -> memref<4096x1024xf32, #tpu.memory_space<hbm>>
    tpu.enqueue_indirect_dma source(%arg6 : memref<16x1024xf32, #tpu.memory_space<vmem>>) target(%dma_start3A_15 : memref<4096x1024xf32, #tpu.memory_space<hbm>>) offsets(%arg5 : memref<16xi32, #tpu.memory_space<vmem>>) semaphore(%arg7 : memref<!tpu.dma_semaphore, #tpu.memory_space<semaphore_mem>>)
    %dma_wait3A_16 = arith.constant 0 : i32
    %dma_wait3A_17 = arith.constant 0 : i32
    %dma_wait3A_18 = tpu.memref_slice %arg4[%dma_wait3A_16, %dma_wait3A_17] : memref<4096x1024xf32, #tpu.memory_space<hbm>> -> memref<4096x1024xf32, #tpu.memory_space<hbm>>
    tpu.wait_indirect_dma semaphore(%arg7 : memref<!tpu.dma_semaphore, #tpu.memory_space<semaphore_mem>>) src(%arg6 : memref<16x1024xf32, #tpu.memory_space<vmem>>) dst(%dma_wait3A_18 : memref<4096x1024xf32, #tpu.memory_space<hbm>>)
    %mul3A_19 = arith.constant 64 : i32
    %mul3A_20 = arith.muli %add3A, %mul3A_19 : i32
    %add3A_21 = arith.constant 32 : i32
    %add3A_22 = arith.addi %mul3A_20, %add3A_21 : i32
    "tpu.region"() ({
      %run_scoped3A = tpu.sem_alloc : memref<!tpu.dma_semaphore, #tpu.memory_space<semaphore_mem>>
      %dma_start3A_39 = arith.constant 0 : i32
      %dma_start3A_40 = tpu.memref_slice %arg2[%add3A_22, %dma_start3A_39] : memref<2048x1024xf32, #tpu.memory_space<hbm>> -> memref<16x1024xf32, #tpu.memory_space<hbm>>
      %dma_start3A_41 = arith.constant 0 : i32
      %dma_start3A_42 = tpu.memref_slice %arg2[%add3A_22, %dma_start3A_41] : memref<2048x1024xf32, #tpu.memory_space<hbm>> -> memref<16x1024xf32, #tpu.memory_space<hbm>>
      tpu.enqueue_dma source(%dma_start3A_42 : memref<16x1024xf32, #tpu.memory_space<hbm>>) target(%arg6 : memref<16x1024xf32, #tpu.memory_space<vmem>>) target_semaphore(%run_scoped3A : memref<!tpu.dma_semaphore, #tpu.memory_space<semaphore_mem>>)
      %dma_wait3A_43 = arith.constant 0 : i32
      %dma_wait3A_44 = tpu.memref_slice %arg2[%add3A_22, %dma_wait3A_43] : memref<2048x1024xf32, #tpu.memory_space<hbm>> -> memref<16x1024xf32, #tpu.memory_space<hbm>>
      %dma_wait3A_45 = arith.constant 0 : i32
      %dma_wait3A_46 = tpu.memref_slice %arg2[%add3A_22, %dma_wait3A_45] : memref<2048x1024xf32, #tpu.memory_space<hbm>> -> memref<16x1024xf32, #tpu.memory_space<hbm>>
      tpu.wait_dma2 semaphore(%run_scoped3A : memref<!tpu.dma_semaphore, #tpu.memory_space<semaphore_mem>>) src(%dma_wait3A_46 : memref<16x1024xf32, #tpu.memory_space<hbm>>) dst(%arg6 : memref<16x1024xf32, #tpu.memory_space<vmem>>)
      tpu.yield
    }) : () -> ()
    "tpu.region"() ({
      %run_scoped3A = tpu.sem_alloc : memref<!tpu.dma_semaphore, #tpu.memory_space<semaphore_mem>>
      %dma_start3A_39 = tpu.memref_slice %arg3[%add3A_22] : memref<2048xi32, #tpu.memory_space<hbm>> -> memref<16xi32, #tpu.memory_space<hbm>>
      %dma_start3A_40 = tpu.memref_slice %arg3[%add3A_22] : memref<2048xi32, #tpu.memory_space<hbm>> -> memref<16xi32, #tpu.memory_space<hbm>>
      tpu.enqueue_dma source(%dma_start3A_40 : memref<16xi32, #tpu.memory_space<hbm>>) target(%arg5 : memref<16xi32, #tpu.memory_space<vmem>>) target_semaphore(%run_scoped3A : memref<!tpu.dma_semaphore, #tpu.memory_space<semaphore_mem>>)
      %dma_wait3A_41 = tpu.memref_slice %arg3[%add3A_22] : memref<2048xi32, #tpu.memory_space<hbm>> -> memref<16xi32, #tpu.memory_space<hbm>>
      %dma_wait3A_42 = tpu.memref_slice %arg3[%add3A_22] : memref<2048xi32, #tpu.memory_space<hbm>> -> memref<16xi32, #tpu.memory_space<hbm>>
      tpu.wait_dma2 semaphore(%run_scoped3A : memref<!tpu.dma_semaphore, #tpu.memory_space<semaphore_mem>>) src(%dma_wait3A_42 : memref<16xi32, #tpu.memory_space<hbm>>) dst(%arg5 : memref<16xi32, #tpu.memory_space<vmem>>)
      tpu.yield
    }) : () -> ()
    %dma_start3A_23 = arith.constant 0 : i32
    %dma_start3A_24 = arith.constant 0 : i32
    %dma_start3A_25 = tpu.memref_slice %arg4[%dma_start3A_23, %dma_start3A_24] : memref<4096x1024xf32, #tpu.memory_space<hbm>> -> memref<4096x1024xf32, #tpu.memory_space<hbm>>
    tpu.enqueue_indirect_dma source(%arg6 : memref<16x1024xf32, #tpu.memory_space<vmem>>) target(%dma_start3A_25 : memref<4096x1024xf32, #tpu.memory_space<hbm>>) offsets(%arg5 : memref<16xi32, #tpu.memory_space<vmem>>) semaphore(%arg7 : memref<!tpu.dma_semaphore, #tpu.memory_space<semaphore_mem>>)
    %dma_wait3A_26 = arith.constant 0 : i32
    %dma_wait3A_27 = arith.constant 0 : i32
    %dma_wait3A_28 = tpu.memref_slice %arg4[%dma_wait3A_26, %dma_wait3A_27] : memref<4096x1024xf32, #tpu.memory_space<hbm>> -> memref<4096x1024xf32, #tpu.memory_space<hbm>>
    tpu.wait_indirect_dma semaphore(%arg7 : memref<!tpu.dma_semaphore, #tpu.memory_space<semaphore_mem>>) src(%arg6 : memref<16x1024xf32, #tpu.memory_space<vmem>>) dst(%dma_wait3A_28 : memref<4096x1024xf32, #tpu.memory_space<hbm>>)
    %mul3A_29 = arith.constant 64 : i32
    %mul3A_30 = arith.muli %add3A, %mul3A_29 : i32
    %add3A_31 = arith.constant 48 : i32
    %add3A_32 = arith.addi %mul3A_30, %add3A_31 : i32
    "tpu.region"() ({
      %run_scoped3A = tpu.sem_alloc : memref<!tpu.dma_semaphore, #tpu.memory_space<semaphore_mem>>
      %dma_start3A_39 = arith.constant 0 : i32
      %dma_start3A_40 = tpu.memref_slice %arg2[%add3A_32, %dma_start3A_39] : memref<2048x1024xf32, #tpu.memory_space<hbm>> -> memref<16x1024xf32, #tpu.memory_space<hbm>>
      %dma_start3A_41 = arith.constant 0 : i32
      %dma_start3A_42 = tpu.memref_slice %arg2[%add3A_32, %dma_start3A_41] : memref<2048x1024xf32, #tpu.memory_space<hbm>> -> memref<16x1024xf32, #tpu.memory_space<hbm>>
      tpu.enqueue_dma source(%dma_start3A_42 : memref<16x1024xf32, #tpu.memory_space<hbm>>) target(%arg6 : memref<16x1024xf32, #tpu.memory_space<vmem>>) target_semaphore(%run_scoped3A : memref<!tpu.dma_semaphore, #tpu.memory_space<semaphore_mem>>)
      %dma_wait3A_43 = arith.constant 0 : i32
      %dma_wait3A_44 = tpu.memref_slice %arg2[%add3A_32, %dma_wait3A_43] : memref<2048x1024xf32, #tpu.memory_space<hbm>> -> memref<16x1024xf32, #tpu.memory_space<hbm>>
      %dma_wait3A_45 = arith.constant 0 : i32
      %dma_wait3A_46 = tpu.memref_slice %arg2[%add3A_32, %dma_wait3A_45] : memref<2048x1024xf32, #tpu.memory_space<hbm>> -> memref<16x1024xf32, #tpu.memory_space<hbm>>
      tpu.wait_dma2 semaphore(%run_scoped3A : memref<!tpu.dma_semaphore, #tpu.memory_space<semaphore_mem>>) src(%dma_wait3A_46 : memref<16x1024xf32, #tpu.memory_space<hbm>>) dst(%arg6 : memref<16x1024xf32, #tpu.memory_space<vmem>>)
      tpu.yield
    }) : () -> ()
    "tpu.region"() ({
      %run_scoped3A = tpu.sem_alloc : memref<!tpu.dma_semaphore, #tpu.memory_space<semaphore_mem>>
      %dma_start3A_39 = tpu.memref_slice %arg3[%add3A_32] : memref<2048xi32, #tpu.memory_space<hbm>> -> memref<16xi32, #tpu.memory_space<hbm>>
      %dma_start3A_40 = tpu.memref_slice %arg3[%add3A_32] : memref<2048xi32, #tpu.memory_space<hbm>> -> memref<16xi32, #tpu.memory_space<hbm>>
      tpu.enqueue_dma source(%dma_start3A_40 : memref<16xi32, #tpu.memory_space<hbm>>) target(%arg5 : memref<16xi32, #tpu.memory_space<vmem>>) target_semaphore(%run_scoped3A : memref<!tpu.dma_semaphore, #tpu.memory_space<semaphore_mem>>)
      %dma_wait3A_41 = tpu.memref_slice %arg3[%add3A_32] : memref<2048xi32, #tpu.memory_space<hbm>> -> memref<16xi32, #tpu.memory_space<hbm>>
      %dma_wait3A_42 = tpu.memref_slice %arg3[%add3A_32] : memref<2048xi32, #tpu.memory_space<hbm>> -> memref<16xi32, #tpu.memory_space<hbm>>
      tpu.wait_dma2 semaphore(%run_scoped3A : memref<!tpu.dma_semaphore, #tpu.memory_space<semaphore_mem>>) src(%dma_wait3A_42 : memref<16xi32, #tpu.memory_space<hbm>>) dst(%arg5 : memref<16xi32, #tpu.memory_space<vmem>>)
      tpu.yield
    }) : () -> ()
    %dma_start3A_33 = arith.constant 0 : i32
    %dma_start3A_34 = arith.constant 0 : i32
    %dma_start3A_35 = tpu.memref_slice %arg4[%dma_start3A_33, %dma_start3A_34] : memref<4096x1024xf32, #tpu.memory_space<hbm>> -> memref<4096x1024xf32, #tpu.memory_space<hbm>>
    tpu.enqueue_indirect_dma source(%arg6 : memref<16x1024xf32, #tpu.memory_space<vmem>>) target(%dma_start3A_35 : memref<4096x1024xf32, #tpu.memory_space<hbm>>) offsets(%arg5 : memref<16xi32, #tpu.memory_space<vmem>>) semaphore(%arg7 : memref<!tpu.dma_semaphore, #tpu.memory_space<semaphore_mem>>)
    %dma_wait3A_36 = arith.constant 0 : i32
    %dma_wait3A_37 = arith.constant 0 : i32
    %dma_wait3A_38 = tpu.memref_slice %arg4[%dma_wait3A_36, %dma_wait3A_37] : memref<4096x1024xf32, #tpu.memory_space<hbm>> -> memref<4096x1024xf32, #tpu.memory_space<hbm>>
    tpu.wait_indirect_dma semaphore(%arg7 : memref<!tpu.dma_semaphore, #tpu.memory_space<semaphore_mem>>) src(%arg6 : memref<16x1024xf32, #tpu.memory_space<vmem>>) dst(%dma_wait3A_38 : memref<4096x1024xf32, #tpu.memory_space<hbm>>)
    return
  }
}

#map = affine_map<(d0, d1) -> (0, 0)>
#map1 = affine_map<(d0, d1) -> (0)>
module attributes {stable_mosaic.version = 14 : i64} {
  func.func @body(%arg0: i32, %arg1: i32, %arg2: memref<1024x2048xf32, #tpu.memory_space<hbm>>, %arg3: memref<2048xi32, #tpu.memory_space<hbm>>, %arg4: memref<4096x16xf32, #tpu.memory_space<hbm>>, %arg5: memref<4096x1024xf32, #tpu.memory_space<hbm>>, %arg6: memref<2048xi32, #tpu.memory_space<vmem>>, %arg7: memref<16x2048xf32, #tpu.memory_space<vmem>>, %arg8: memref<4096x16xf32, #tpu.memory_space<vmem>>) attributes {dimension_semantics = [#tpu.dimension_semantics<core_parallel>, #tpu.dimension_semantics<subcore_parallel>], iteration_bounds = array<i64: 2, 16>, scalar_prefetch = 0 : i64, scratch_operands = 3 : i64, tpu.core_type = #tpu.core_type<sc_vector_subcore>, window_params = [{transform_indices = #map}, {transform_indices = #map1}, {transform_indices = #map}, {transform_indices = #map}]} {
    %mul3A = arith.constant 2 : i32
    %mul3A_0 = arith.muli %arg1, %mul3A : i32
    %add3A = arith.addi %mul3A_0, %arg0 : i32
    "tpu.region"() ({
      %run_scoped3A = tpu.sem_alloc : memref<!tpu.dma_semaphore, #tpu.memory_space<semaphore_mem>>
      tpu.enqueue_dma source(%arg3 : memref<2048xi32, #tpu.memory_space<hbm>>) target(%arg6 : memref<2048xi32, #tpu.memory_space<vmem>>) target_semaphore(%run_scoped3A : memref<!tpu.dma_semaphore, #tpu.memory_space<semaphore_mem>>)
      tpu.wait_dma2 semaphore(%run_scoped3A : memref<!tpu.dma_semaphore, #tpu.memory_space<semaphore_mem>>) src(%arg3 : memref<2048xi32, #tpu.memory_space<hbm>>) dst(%arg6 : memref<2048xi32, #tpu.memory_space<vmem>>)
      tpu.yield
    }) : () -> ()
    %mul3A_1 = arith.constant 2 : i32
    %mul3A_2 = arith.muli %add3A, %mul3A_1 : i32
    %add3A_3 = arith.constant 0 : i32
    %add3A_4 = arith.addi %mul3A_2, %add3A_3 : i32
    "tpu.region"() ({
      %run_scoped3A = tpu.sem_alloc : memref<!tpu.dma_semaphore, #tpu.memory_space<semaphore_mem>>
      tpu.enqueue_dma source(%arg4 : memref<4096x16xf32, #tpu.memory_space<hbm>>) target(%arg8 : memref<4096x16xf32, #tpu.memory_space<vmem>>) target_semaphore(%run_scoped3A : memref<!tpu.dma_semaphore, #tpu.memory_space<semaphore_mem>>)
      tpu.wait_dma2 semaphore(%run_scoped3A : memref<!tpu.dma_semaphore, #tpu.memory_space<semaphore_mem>>) src(%arg4 : memref<4096x16xf32, #tpu.memory_space<hbm>>) dst(%arg8 : memref<4096x16xf32, #tpu.memory_space<vmem>>)
      tpu.yield
    }) : () -> ()
    %mul3A_5 = arith.constant 16 : i32
    %mul3A_6 = arith.muli %add3A_4, %mul3A_5 : i32
    "tpu.region"() ({
      %run_scoped3A = tpu.sem_alloc : memref<!tpu.dma_semaphore, #tpu.memory_space<semaphore_mem>>
      %dma_start3A = arith.constant 0 : i32
      %dma_start3A_22 = tpu.memref_slice %arg2[%mul3A_6, %dma_start3A] : memref<1024x2048xf32, #tpu.memory_space<hbm>> -> memref<16x2048xf32, #tpu.memory_space<hbm>>
      %dma_start3A_23 = arith.constant 0 : i32
      %dma_start3A_24 = tpu.memref_slice %arg2[%mul3A_6, %dma_start3A_23] : memref<1024x2048xf32, #tpu.memory_space<hbm>> -> memref<16x2048xf32, #tpu.memory_space<hbm>>
      tpu.enqueue_dma source(%dma_start3A_24 : memref<16x2048xf32, #tpu.memory_space<hbm>>) target(%arg7 : memref<16x2048xf32, #tpu.memory_space<vmem>>) target_semaphore(%run_scoped3A : memref<!tpu.dma_semaphore, #tpu.memory_space<semaphore_mem>>)
      %dma_wait3A = arith.constant 0 : i32
      %dma_wait3A_25 = tpu.memref_slice %arg2[%mul3A_6, %dma_wait3A] : memref<1024x2048xf32, #tpu.memory_space<hbm>> -> memref<16x2048xf32, #tpu.memory_space<hbm>>
      %dma_wait3A_26 = arith.constant 0 : i32
      %dma_wait3A_27 = tpu.memref_slice %arg2[%mul3A_6, %dma_wait3A_26] : memref<1024x2048xf32, #tpu.memory_space<hbm>> -> memref<16x2048xf32, #tpu.memory_space<hbm>>
      tpu.wait_dma2 semaphore(%run_scoped3A : memref<!tpu.dma_semaphore, #tpu.memory_space<semaphore_mem>>) src(%dma_wait3A_27 : memref<16x2048xf32, #tpu.memory_space<hbm>>) dst(%arg7 : memref<16x2048xf32, #tpu.memory_space<vmem>>)
      tpu.yield
    }) : () -> ()
    %parallel_loop3A = arith.constant 0 : i32
    %parallel_loop3A_7 = arith.constant 128 : i32
    %parallel_loop3A_8 = arith.constant 1 : i32
    scf.for %parallel_loop3A_22 = %parallel_loop3A to %parallel_loop3A_7 step %parallel_loop3A_8  : i32 {
      %parallel_loop3A_23 = arith.constant 16 : i32
      %parallel_loop3A_24 = arith.muli %parallel_loop3A_22, %parallel_loop3A_23 : i32
      %parallel_loop3A_25 = arith.index_cast %parallel_loop3A_24 : i32 to index
      %parallel_loop3A_26 = tpu.vector_load %arg6[%parallel_loop3A_25] {strides = array<i32>} : memref<2048xi32, #tpu.memory_space<vmem>>, vector<16xi32>,
      %parallel_loop3A_27 = arith.constant 0 : i32
      %parallel_loop3A_28 = arith.index_cast %parallel_loop3A_27 : i32 to index
      %parallel_loop3A_29 = arith.index_cast %parallel_loop3A_24 : i32 to index
      %parallel_loop3A_30 = tpu.vector_load %arg7[%parallel_loop3A_28, %parallel_loop3A_29] {strides = array<i32>} : memref<16x2048xf32, #tpu.memory_space<vmem>>, vector<16xf32>,
      %parallel_loop3A_31 = arith.constant 0 : i32
      %parallel_loop3A_32 = vector.broadcast %parallel_loop3A_31 : i32 to vector<16xi32>
      tpu.vector_store_idx %arg8[%parallel_loop3A_26, %parallel_loop3A_32], %parallel_loop3A_30 {add = true} : memref<4096x16xf32, #tpu.memory_space<vmem>>[vector<16xi32>, vector<16xi32>], vector<16xf32>,
      %parallel_loop3A_33 = arith.constant 1 : i32
      %parallel_loop3A_34 = arith.index_cast %parallel_loop3A_33 : i32 to index
      %parallel_loop3A_35 = arith.index_cast %parallel_loop3A_24 : i32 to index
      %parallel_loop3A_36 = tpu.vector_load %arg7[%parallel_loop3A_34, %parallel_loop3A_35] {strides = array<i32>} : memref<16x2048xf32, #tpu.memory_space<vmem>>, vector<16xf32>,
      %parallel_loop3A_37 = arith.constant 1 : i32
      %parallel_loop3A_38 = vector.broadcast %parallel_loop3A_37 : i32 to vector<16xi32>
      tpu.vector_store_idx %arg8[%parallel_loop3A_26, %parallel_loop3A_38], %parallel_loop3A_36 {add = true} : memref<4096x16xf32, #tpu.memory_space<vmem>>[vector<16xi32>, vector<16xi32>], vector<16xf32>,
      %parallel_loop3A_39 = arith.constant 2 : i32
      %parallel_loop3A_40 = arith.index_cast %parallel_loop3A_39 : i32 to index
      %parallel_loop3A_41 = arith.index_cast %parallel_loop3A_24 : i32 to index
      %parallel_loop3A_42 = tpu.vector_load %arg7[%parallel_loop3A_40, %parallel_loop3A_41] {strides = array<i32>} : memref<16x2048xf32, #tpu.memory_space<vmem>>, vector<16xf32>,
      %parallel_loop3A_43 = arith.constant 2 : i32
      %parallel_loop3A_44 = vector.broadcast %parallel_loop3A_43 : i32 to vector<16xi32>
      tpu.vector_store_idx %arg8[%parallel_loop3A_26, %parallel_loop3A_44], %parallel_loop3A_42 {add = true} : memref<4096x16xf32, #tpu.memory_space<vmem>>[vector<16xi32>, vector<16xi32>], vector<16xf32>,
      %parallel_loop3A_45 = arith.constant 3 : i32
      %parallel_loop3A_46 = arith.index_cast %parallel_loop3A_45 : i32 to index
      %parallel_loop3A_47 = arith.index_cast %parallel_loop3A_24 : i32 to index
      %parallel_loop3A_48 = tpu.vector_load %arg7[%parallel_loop3A_46, %parallel_loop3A_47] {strides = array<i32>} : memref<16x2048xf32, #tpu.memory_space<vmem>>, vector<16xf32>,
      %parallel_loop3A_49 = arith.constant 3 : i32
      %parallel_loop3A_50 = vector.broadcast %parallel_loop3A_49 : i32 to vector<16xi32>
      tpu.vector_store_idx %arg8[%parallel_loop3A_26, %parallel_loop3A_50], %parallel_loop3A_48 {add = true} : memref<4096x16xf32, #tpu.memory_space<vmem>>[vector<16xi32>, vector<16xi32>], vector<16xf32>,
      %parallel_loop3A_51 = arith.constant 4 : i32
      %parallel_loop3A_52 = arith.index_cast %parallel_loop3A_51 : i32 to index
      %parallel_loop3A_53 = arith.index_cast %parallel_loop3A_24 : i32 to index
      %parallel_loop3A_54 = tpu.vector_load %arg7[%parallel_loop3A_52, %parallel_loop3A_53] {strides = array<i32>} : memref<16x2048xf32, #tpu.memory_space<vmem>>, vector<16xf32>,
      %parallel_loop3A_55 = arith.constant 4 : i32
      %parallel_loop3A_56 = vector.broadcast %parallel_loop3A_55 : i32 to vector<16xi32>
      tpu.vector_store_idx %arg8[%parallel_loop3A_26, %parallel_loop3A_56], %parallel_loop3A_54 {add = true} : memref<4096x16xf32, #tpu.memory_space<vmem>>[vector<16xi32>, vector<16xi32>], vector<16xf32>,
      %parallel_loop3A_57 = arith.constant 5 : i32
      %parallel_loop3A_58 = arith.index_cast %parallel_loop3A_57 : i32 to index
      %parallel_loop3A_59 = arith.index_cast %parallel_loop3A_24 : i32 to index
      %parallel_loop3A_60 = tpu.vector_load %arg7[%parallel_loop3A_58, %parallel_loop3A_59] {strides = array<i32>} : memref<16x2048xf32, #tpu.memory_space<vmem>>, vector<16xf32>,
      %parallel_loop3A_61 = arith.constant 5 : i32
      %parallel_loop3A_62 = vector.broadcast %parallel_loop3A_61 : i32 to vector<16xi32>
      tpu.vector_store_idx %arg8[%parallel_loop3A_26, %parallel_loop3A_62], %parallel_loop3A_60 {add = true} : memref<4096x16xf32, #tpu.memory_space<vmem>>[vector<16xi32>, vector<16xi32>], vector<16xf32>,
      %parallel_loop3A_63 = arith.constant 6 : i32
      %parallel_loop3A_64 = arith.index_cast %parallel_loop3A_63 : i32 to index
      %parallel_loop3A_65 = arith.index_cast %parallel_loop3A_24 : i32 to index
      %parallel_loop3A_66 = tpu.vector_load %arg7[%parallel_loop3A_64, %parallel_loop3A_65] {strides = array<i32>} : memref<16x2048xf32, #tpu.memory_space<vmem>>, vector<16xf32>,
      %parallel_loop3A_67 = arith.constant 6 : i32
      %parallel_loop3A_68 = vector.broadcast %parallel_loop3A_67 : i32 to vector<16xi32>
      tpu.vector_store_idx %arg8[%parallel_loop3A_26, %parallel_loop3A_68], %parallel_loop3A_66 {add = true} : memref<4096x16xf32, #tpu.memory_space<vmem>>[vector<16xi32>, vector<16xi32>], vector<16xf32>,
      %parallel_loop3A_69 = arith.constant 7 : i32
      %parallel_loop3A_70 = arith.index_cast %parallel_loop3A_69 : i32 to index
      %parallel_loop3A_71 = arith.index_cast %parallel_loop3A_24 : i32 to index
      %parallel_loop3A_72 = tpu.vector_load %arg7[%parallel_loop3A_70, %parallel_loop3A_71] {strides = array<i32>} : memref<16x2048xf32, #tpu.memory_space<vmem>>, vector<16xf32>,
      %parallel_loop3A_73 = arith.constant 7 : i32
      %parallel_loop3A_74 = vector.broadcast %parallel_loop3A_73 : i32 to vector<16xi32>
      tpu.vector_store_idx %arg8[%parallel_loop3A_26, %parallel_loop3A_74], %parallel_loop3A_72 {add = true} : memref<4096x16xf32, #tpu.memory_space<vmem>>[vector<16xi32>, vector<16xi32>], vector<16xf32>,
      %parallel_loop3A_75 = arith.constant 8 : i32
      %parallel_loop3A_76 = arith.index_cast %parallel_loop3A_75 : i32 to index
      %parallel_loop3A_77 = arith.index_cast %parallel_loop3A_24 : i32 to index
      %parallel_loop3A_78 = tpu.vector_load %arg7[%parallel_loop3A_76, %parallel_loop3A_77] {strides = array<i32>} : memref<16x2048xf32, #tpu.memory_space<vmem>>, vector<16xf32>,
      %parallel_loop3A_79 = arith.constant 8 : i32
      %parallel_loop3A_80 = vector.broadcast %parallel_loop3A_79 : i32 to vector<16xi32>
      tpu.vector_store_idx %arg8[%parallel_loop3A_26, %parallel_loop3A_80], %parallel_loop3A_78 {add = true} : memref<4096x16xf32, #tpu.memory_space<vmem>>[vector<16xi32>, vector<16xi32>], vector<16xf32>,
      %parallel_loop3A_81 = arith.constant 9 : i32
      %parallel_loop3A_82 = arith.index_cast %parallel_loop3A_81 : i32 to index
      %parallel_loop3A_83 = arith.index_cast %parallel_loop3A_24 : i32 to index
      %parallel_loop3A_84 = tpu.vector_load %arg7[%parallel_loop3A_82, %parallel_loop3A_83] {strides = array<i32>} : memref<16x2048xf32, #tpu.memory_space<vmem>>, vector<16xf32>,
      %parallel_loop3A_85 = arith.constant 9 : i32
      %parallel_loop3A_86 = vector.broadcast %parallel_loop3A_85 : i32 to vector<16xi32>
      tpu.vector_store_idx %arg8[%parallel_loop3A_26, %parallel_loop3A_86], %parallel_loop3A_84 {add = true} : memref<4096x16xf32, #tpu.memory_space<vmem>>[vector<16xi32>, vector<16xi32>], vector<16xf32>,
      %parallel_loop3A_87 = arith.constant 10 : i32
      %parallel_loop3A_88 = arith.index_cast %parallel_loop3A_87 : i32 to index
      %parallel_loop3A_89 = arith.index_cast %parallel_loop3A_24 : i32 to index
      %parallel_loop3A_90 = tpu.vector_load %arg7[%parallel_loop3A_88, %parallel_loop3A_89] {strides = array<i32>} : memref<16x2048xf32, #tpu.memory_space<vmem>>, vector<16xf32>,
      %parallel_loop3A_91 = arith.constant 10 : i32
      %parallel_loop3A_92 = vector.broadcast %parallel_loop3A_91 : i32 to vector<16xi32>
      tpu.vector_store_idx %arg8[%parallel_loop3A_26, %parallel_loop3A_92], %parallel_loop3A_90 {add = true} : memref<4096x16xf32, #tpu.memory_space<vmem>>[vector<16xi32>, vector<16xi32>], vector<16xf32>,
      %parallel_loop3A_93 = arith.constant 11 : i32
      %parallel_loop3A_94 = arith.index_cast %parallel_loop3A_93 : i32 to index
      %parallel_loop3A_95 = arith.index_cast %parallel_loop3A_24 : i32 to index
      %parallel_loop3A_96 = tpu.vector_load %arg7[%parallel_loop3A_94, %parallel_loop3A_95] {strides = array<i32>} : memref<16x2048xf32, #tpu.memory_space<vmem>>, vector<16xf32>,
      %parallel_loop3A_97 = arith.constant 11 : i32
      %parallel_loop3A_98 = vector.broadcast %parallel_loop3A_97 : i32 to vector<16xi32>
      tpu.vector_store_idx %arg8[%parallel_loop3A_26, %parallel_loop3A_98], %parallel_loop3A_96 {add = true} : memref<4096x16xf32, #tpu.memory_space<vmem>>[vector<16xi32>, vector<16xi32>], vector<16xf32>,
      %parallel_loop3A_99 = arith.constant 12 : i32
      %parallel_loop3A_100 = arith.index_cast %parallel_loop3A_99 : i32 to index
      %parallel_loop3A_101 = arith.index_cast %parallel_loop3A_24 : i32 to index
      %parallel_loop3A_102 = tpu.vector_load %arg7[%parallel_loop3A_100, %parallel_loop3A_101] {strides = array<i32>} : memref<16x2048xf32, #tpu.memory_space<vmem>>, vector<16xf32>,
      %parallel_loop3A_103 = arith.constant 12 : i32
      %parallel_loop3A_104 = vector.broadcast %parallel_loop3A_103 : i32 to vector<16xi32>
      tpu.vector_store_idx %arg8[%parallel_loop3A_26, %parallel_loop3A_104], %parallel_loop3A_102 {add = true} : memref<4096x16xf32, #tpu.memory_space<vmem>>[vector<16xi32>, vector<16xi32>], vector<16xf32>,
      %parallel_loop3A_105 = arith.constant 13 : i32
      %parallel_loop3A_106 = arith.index_cast %parallel_loop3A_105 : i32 to index
      %parallel_loop3A_107 = arith.index_cast %parallel_loop3A_24 : i32 to index
      %parallel_loop3A_108 = tpu.vector_load %arg7[%parallel_loop3A_106, %parallel_loop3A_107] {strides = array<i32>} : memref<16x2048xf32, #tpu.memory_space<vmem>>, vector<16xf32>,
      %parallel_loop3A_109 = arith.constant 13 : i32
      %parallel_loop3A_110 = vector.broadcast %parallel_loop3A_109 : i32 to vector<16xi32>
      tpu.vector_store_idx %arg8[%parallel_loop3A_26, %parallel_loop3A_110], %parallel_loop3A_108 {add = true} : memref<4096x16xf32, #tpu.memory_space<vmem>>[vector<16xi32>, vector<16xi32>], vector<16xf32>,
      %parallel_loop3A_111 = arith.constant 14 : i32
      %parallel_loop3A_112 = arith.index_cast %parallel_loop3A_111 : i32 to index
      %parallel_loop3A_113 = arith.index_cast %parallel_loop3A_24 : i32 to index
      %parallel_loop3A_114 = tpu.vector_load %arg7[%parallel_loop3A_112, %parallel_loop3A_113] {strides = array<i32>} : memref<16x2048xf32, #tpu.memory_space<vmem>>, vector<16xf32>,
      %parallel_loop3A_115 = arith.constant 14 : i32
      %parallel_loop3A_116 = vector.broadcast %parallel_loop3A_115 : i32 to vector<16xi32>
      tpu.vector_store_idx %arg8[%parallel_loop3A_26, %parallel_loop3A_116], %parallel_loop3A_114 {add = true} : memref<4096x16xf32, #tpu.memory_space<vmem>>[vector<16xi32>, vector<16xi32>], vector<16xf32>,
      %parallel_loop3A_117 = arith.constant 15 : i32
      %parallel_loop3A_118 = arith.index_cast %parallel_loop3A_117 : i32 to index
      %parallel_loop3A_119 = arith.index_cast %parallel_loop3A_24 : i32 to index
      %parallel_loop3A_120 = tpu.vector_load %arg7[%parallel_loop3A_118, %parallel_loop3A_119] {strides = array<i32>} : memref<16x2048xf32, #tpu.memory_space<vmem>>, vector<16xf32>,
      %parallel_loop3A_121 = arith.constant 15 : i32
      %parallel_loop3A_122 = vector.broadcast %parallel_loop3A_121 : i32 to vector<16xi32>
      tpu.vector_store_idx %arg8[%parallel_loop3A_26, %parallel_loop3A_122], %parallel_loop3A_120 {add = true} : memref<4096x16xf32, #tpu.memory_space<vmem>>[vector<16xi32>, vector<16xi32>], vector<16xf32>,
    } {sc.loop_unroll_factor = 4 : i64, sc.parallel_access}
    %mul3A_9 = arith.constant 16 : i32
    %mul3A_10 = arith.muli %add3A_4, %mul3A_9 : i32
    "tpu.region"() ({
      %run_scoped3A = tpu.sem_alloc : memref<!tpu.dma_semaphore, #tpu.memory_space<semaphore_mem>>
      %dma_start3A = arith.constant 0 : i32
      %dma_start3A_22 = tpu.memref_slice %arg5[%dma_start3A, %mul3A_10] : memref<4096x1024xf32, #tpu.memory_space<hbm>> -> memref<4096x16xf32, #tpu.memory_space<hbm>>
      %dma_start3A_23 = arith.constant 0 : i32
      %dma_start3A_24 = tpu.memref_slice %arg5[%dma_start3A_23, %mul3A_10] : memref<4096x1024xf32, #tpu.memory_space<hbm>> -> memref<4096x16xf32, #tpu.memory_space<hbm>>
      tpu.enqueue_dma source(%arg8 : memref<4096x16xf32, #tpu.memory_space<vmem>>) target(%dma_start3A_24 : memref<4096x16xf32, #tpu.memory_space<hbm>>) target_semaphore(%run_scoped3A : memref<!tpu.dma_semaphore, #tpu.memory_space<semaphore_mem>>)
      %dma_wait3A = arith.constant 0 : i32
      %dma_wait3A_25 = tpu.memref_slice %arg5[%dma_wait3A, %mul3A_10] : memref<4096x1024xf32, #tpu.memory_space<hbm>> -> memref<4096x16xf32, #tpu.memory_space<hbm>>
      %dma_wait3A_26 = arith.constant 0 : i32
      %dma_wait3A_27 = tpu.memref_slice %arg5[%dma_wait3A_26, %mul3A_10] : memref<4096x1024xf32, #tpu.memory_space<hbm>> -> memref<4096x16xf32, #tpu.memory_space<hbm>>
      tpu.wait_dma2 semaphore(%run_scoped3A : memref<!tpu.dma_semaphore, #tpu.memory_space<semaphore_mem>>) src(%arg8 : memref<4096x16xf32, #tpu.memory_space<vmem>>) dst(%dma_wait3A_27 : memref<4096x16xf32, #tpu.memory_space<hbm>>)
      tpu.yield
    }) : () -> ()
    %mul3A_11 = arith.constant 2 : i32
    %mul3A_12 = arith.muli %add3A, %mul3A_11 : i32
    %add3A_13 = arith.constant 1 : i32
    %add3A_14 = arith.addi %mul3A_12, %add3A_13 : i32
    "tpu.region"() ({
      %run_scoped3A = tpu.sem_alloc : memref<!tpu.dma_semaphore, #tpu.memory_space<semaphore_mem>>
      tpu.enqueue_dma source(%arg4 : memref<4096x16xf32, #tpu.memory_space<hbm>>) target(%arg8 : memref<4096x16xf32, #tpu.memory_space<vmem>>) target_semaphore(%run_scoped3A : memref<!tpu.dma_semaphore, #tpu.memory_space<semaphore_mem>>)
      tpu.wait_dma2 semaphore(%run_scoped3A : memref<!tpu.dma_semaphore, #tpu.memory_space<semaphore_mem>>) src(%arg4 : memref<4096x16xf32, #tpu.memory_space<hbm>>) dst(%arg8 : memref<4096x16xf32, #tpu.memory_space<vmem>>)
      tpu.yield
    }) : () -> ()
    %mul3A_15 = arith.constant 16 : i32
    %mul3A_16 = arith.muli %add3A_14, %mul3A_15 : i32
    "tpu.region"() ({
      %run_scoped3A = tpu.sem_alloc : memref<!tpu.dma_semaphore, #tpu.memory_space<semaphore_mem>>
      %dma_start3A = arith.constant 0 : i32
      %dma_start3A_22 = tpu.memref_slice %arg2[%mul3A_16, %dma_start3A] : memref<1024x2048xf32, #tpu.memory_space<hbm>> -> memref<16x2048xf32, #tpu.memory_space<hbm>>
      %dma_start3A_23 = arith.constant 0 : i32
      %dma_start3A_24 = tpu.memref_slice %arg2[%mul3A_16, %dma_start3A_23] : memref<1024x2048xf32, #tpu.memory_space<hbm>> -> memref<16x2048xf32, #tpu.memory_space<hbm>>
      tpu.enqueue_dma source(%dma_start3A_24 : memref<16x2048xf32, #tpu.memory_space<hbm>>) target(%arg7 : memref<16x2048xf32, #tpu.memory_space<vmem>>) target_semaphore(%run_scoped3A : memref<!tpu.dma_semaphore, #tpu.memory_space<semaphore_mem>>)
      %dma_wait3A = arith.constant 0 : i32
      %dma_wait3A_25 = tpu.memref_slice %arg2[%mul3A_16, %dma_wait3A] : memref<1024x2048xf32, #tpu.memory_space<hbm>> -> memref<16x2048xf32, #tpu.memory_space<hbm>>
      %dma_wait3A_26 = arith.constant 0 : i32
      %dma_wait3A_27 = tpu.memref_slice %arg2[%mul3A_16, %dma_wait3A_26] : memref<1024x2048xf32, #tpu.memory_space<hbm>> -> memref<16x2048xf32, #tpu.memory_space<hbm>>
      tpu.wait_dma2 semaphore(%run_scoped3A : memref<!tpu.dma_semaphore, #tpu.memory_space<semaphore_mem>>) src(%dma_wait3A_27 : memref<16x2048xf32, #tpu.memory_space<hbm>>) dst(%arg7 : memref<16x2048xf32, #tpu.memory_space<vmem>>)
      tpu.yield
    }) : () -> ()
    %parallel_loop3A_17 = arith.constant 0 : i32
    %parallel_loop3A_18 = arith.constant 128 : i32
    %parallel_loop3A_19 = arith.constant 1 : i32
    scf.for %parallel_loop3A_22 = %parallel_loop3A_17 to %parallel_loop3A_18 step %parallel_loop3A_19  : i32 {
      %parallel_loop3A_23 = arith.constant 16 : i32
      %parallel_loop3A_24 = arith.muli %parallel_loop3A_22, %parallel_loop3A_23 : i32
      %parallel_loop3A_25 = arith.index_cast %parallel_loop3A_24 : i32 to index
      %parallel_loop3A_26 = tpu.vector_load %arg6[%parallel_loop3A_25] {strides = array<i32>} : memref<2048xi32, #tpu.memory_space<vmem>>, vector<16xi32>,
      %parallel_loop3A_27 = arith.constant 0 : i32
      %parallel_loop3A_28 = arith.index_cast %parallel_loop3A_27 : i32 to index
      %parallel_loop3A_29 = arith.index_cast %parallel_loop3A_24 : i32 to index
      %parallel_loop3A_30 = tpu.vector_load %arg7[%parallel_loop3A_28, %parallel_loop3A_29] {strides = array<i32>} : memref<16x2048xf32, #tpu.memory_space<vmem>>, vector<16xf32>,
      %parallel_loop3A_31 = arith.constant 0 : i32
      %parallel_loop3A_32 = vector.broadcast %parallel_loop3A_31 : i32 to vector<16xi32>
      tpu.vector_store_idx %arg8[%parallel_loop3A_26, %parallel_loop3A_32], %parallel_loop3A_30 {add = true} : memref<4096x16xf32, #tpu.memory_space<vmem>>[vector<16xi32>, vector<16xi32>], vector<16xf32>,
      %parallel_loop3A_33 = arith.constant 1 : i32
      %parallel_loop3A_34 = arith.index_cast %parallel_loop3A_33 : i32 to index
      %parallel_loop3A_35 = arith.index_cast %parallel_loop3A_24 : i32 to index
      %parallel_loop3A_36 = tpu.vector_load %arg7[%parallel_loop3A_34, %parallel_loop3A_35] {strides = array<i32>} : memref<16x2048xf32, #tpu.memory_space<vmem>>, vector<16xf32>,
      %parallel_loop3A_37 = arith.constant 1 : i32
      %parallel_loop3A_38 = vector.broadcast %parallel_loop3A_37 : i32 to vector<16xi32>
      tpu.vector_store_idx %arg8[%parallel_loop3A_26, %parallel_loop3A_38], %parallel_loop3A_36 {add = true} : memref<4096x16xf32, #tpu.memory_space<vmem>>[vector<16xi32>, vector<16xi32>], vector<16xf32>,
      %parallel_loop3A_39 = arith.constant 2 : i32
      %parallel_loop3A_40 = arith.index_cast %parallel_loop3A_39 : i32 to index
      %parallel_loop3A_41 = arith.index_cast %parallel_loop3A_24 : i32 to index
      %parallel_loop3A_42 = tpu.vector_load %arg7[%parallel_loop3A_40, %parallel_loop3A_41] {strides = array<i32>} : memref<16x2048xf32, #tpu.memory_space<vmem>>, vector<16xf32>,
      %parallel_loop3A_43 = arith.constant 2 : i32
      %parallel_loop3A_44 = vector.broadcast %parallel_loop3A_43 : i32 to vector<16xi32>
      tpu.vector_store_idx %arg8[%parallel_loop3A_26, %parallel_loop3A_44], %parallel_loop3A_42 {add = true} : memref<4096x16xf32, #tpu.memory_space<vmem>>[vector<16xi32>, vector<16xi32>], vector<16xf32>,
      %parallel_loop3A_45 = arith.constant 3 : i32
      %parallel_loop3A_46 = arith.index_cast %parallel_loop3A_45 : i32 to index
      %parallel_loop3A_47 = arith.index_cast %parallel_loop3A_24 : i32 to index
      %parallel_loop3A_48 = tpu.vector_load %arg7[%parallel_loop3A_46, %parallel_loop3A_47] {strides = array<i32>} : memref<16x2048xf32, #tpu.memory_space<vmem>>, vector<16xf32>,
      %parallel_loop3A_49 = arith.constant 3 : i32
      %parallel_loop3A_50 = vector.broadcast %parallel_loop3A_49 : i32 to vector<16xi32>
      tpu.vector_store_idx %arg8[%parallel_loop3A_26, %parallel_loop3A_50], %parallel_loop3A_48 {add = true} : memref<4096x16xf32, #tpu.memory_space<vmem>>[vector<16xi32>, vector<16xi32>], vector<16xf32>,
      %parallel_loop3A_51 = arith.constant 4 : i32
      %parallel_loop3A_52 = arith.index_cast %parallel_loop3A_51 : i32 to index
      %parallel_loop3A_53 = arith.index_cast %parallel_loop3A_24 : i32 to index
      %parallel_loop3A_54 = tpu.vector_load %arg7[%parallel_loop3A_52, %parallel_loop3A_53] {strides = array<i32>} : memref<16x2048xf32, #tpu.memory_space<vmem>>, vector<16xf32>,
      %parallel_loop3A_55 = arith.constant 4 : i32
      %parallel_loop3A_56 = vector.broadcast %parallel_loop3A_55 : i32 to vector<16xi32>
      tpu.vector_store_idx %arg8[%parallel_loop3A_26, %parallel_loop3A_56], %parallel_loop3A_54 {add = true} : memref<4096x16xf32, #tpu.memory_space<vmem>>[vector<16xi32>, vector<16xi32>], vector<16xf32>,
      %parallel_loop3A_57 = arith.constant 5 : i32
      %parallel_loop3A_58 = arith.index_cast %parallel_loop3A_57 : i32 to index
      %parallel_loop3A_59 = arith.index_cast %parallel_loop3A_24 : i32 to index
      %parallel_loop3A_60 = tpu.vector_load %arg7[%parallel_loop3A_58, %parallel_loop3A_59] {strides = array<i32>} : memref<16x2048xf32, #tpu.memory_space<vmem>>, vector<16xf32>,
      %parallel_loop3A_61 = arith.constant 5 : i32
      %parallel_loop3A_62 = vector.broadcast %parallel_loop3A_61 : i32 to vector<16xi32>
      tpu.vector_store_idx %arg8[%parallel_loop3A_26, %parallel_loop3A_62], %parallel_loop3A_60 {add = true} : memref<4096x16xf32, #tpu.memory_space<vmem>>[vector<16xi32>, vector<16xi32>], vector<16xf32>,
      %parallel_loop3A_63 = arith.constant 6 : i32
      %parallel_loop3A_64 = arith.index_cast %parallel_loop3A_63 : i32 to index
      %parallel_loop3A_65 = arith.index_cast %parallel_loop3A_24 : i32 to index
      %parallel_loop3A_66 = tpu.vector_load %arg7[%parallel_loop3A_64, %parallel_loop3A_65] {strides = array<i32>} : memref<16x2048xf32, #tpu.memory_space<vmem>>, vector<16xf32>,
      %parallel_loop3A_67 = arith.constant 6 : i32
      %parallel_loop3A_68 = vector.broadcast %parallel_loop3A_67 : i32 to vector<16xi32>
      tpu.vector_store_idx %arg8[%parallel_loop3A_26, %parallel_loop3A_68], %parallel_loop3A_66 {add = true} : memref<4096x16xf32, #tpu.memory_space<vmem>>[vector<16xi32>, vector<16xi32>], vector<16xf32>,
      %parallel_loop3A_69 = arith.constant 7 : i32
      %parallel_loop3A_70 = arith.index_cast %parallel_loop3A_69 : i32 to index
      %parallel_loop3A_71 = arith.index_cast %parallel_loop3A_24 : i32 to index
      %parallel_loop3A_72 = tpu.vector_load %arg7[%parallel_loop3A_70, %parallel_loop3A_71] {strides = array<i32>} : memref<16x2048xf32, #tpu.memory_space<vmem>>, vector<16xf32>,
      %parallel_loop3A_73 = arith.constant 7 : i32
      %parallel_loop3A_74 = vector.broadcast %parallel_loop3A_73 : i32 to vector<16xi32>
      tpu.vector_store_idx %arg8[%parallel_loop3A_26, %parallel_loop3A_74], %parallel_loop3A_72 {add = true} : memref<4096x16xf32, #tpu.memory_space<vmem>>[vector<16xi32>, vector<16xi32>], vector<16xf32>,
      %parallel_loop3A_75 = arith.constant 8 : i32
      %parallel_loop3A_76 = arith.index_cast %parallel_loop3A_75 : i32 to index
      %parallel_loop3A_77 = arith.index_cast %parallel_loop3A_24 : i32 to index
      %parallel_loop3A_78 = tpu.vector_load %arg7[%parallel_loop3A_76, %parallel_loop3A_77] {strides = array<i32>} : memref<16x2048xf32, #tpu.memory_space<vmem>>, vector<16xf32>,
      %parallel_loop3A_79 = arith.constant 8 : i32
      %parallel_loop3A_80 = vector.broadcast %parallel_loop3A_79 : i32 to vector<16xi32>
      tpu.vector_store_idx %arg8[%parallel_loop3A_26, %parallel_loop3A_80], %parallel_loop3A_78 {add = true} : memref<4096x16xf32, #tpu.memory_space<vmem>>[vector<16xi32>, vector<16xi32>], vector<16xf32>,
      %parallel_loop3A_81 = arith.constant 9 : i32
      %parallel_loop3A_82 = arith.index_cast %parallel_loop3A_81 : i32 to index
      %parallel_loop3A_83 = arith.index_cast %parallel_loop3A_24 : i32 to index
      %parallel_loop3A_84 = tpu.vector_load %arg7[%parallel_loop3A_82, %parallel_loop3A_83] {strides = array<i32>} : memref<16x2048xf32, #tpu.memory_space<vmem>>, vector<16xf32>,
      %parallel_loop3A_85 = arith.constant 9 : i32
      %parallel_loop3A_86 = vector.broadcast %parallel_loop3A_85 : i32 to vector<16xi32>
      tpu.vector_store_idx %arg8[%parallel_loop3A_26, %parallel_loop3A_86], %parallel_loop3A_84 {add = true} : memref<4096x16xf32, #tpu.memory_space<vmem>>[vector<16xi32>, vector<16xi32>], vector<16xf32>,
      %parallel_loop3A_87 = arith.constant 10 : i32
      %parallel_loop3A_88 = arith.index_cast %parallel_loop3A_87 : i32 to index
      %parallel_loop3A_89 = arith.index_cast %parallel_loop3A_24 : i32 to index
      %parallel_loop3A_90 = tpu.vector_load %arg7[%parallel_loop3A_88, %parallel_loop3A_89] {strides = array<i32>} : memref<16x2048xf32, #tpu.memory_space<vmem>>, vector<16xf32>,
      %parallel_loop3A_91 = arith.constant 10 : i32
      %parallel_loop3A_92 = vector.broadcast %parallel_loop3A_91 : i32 to vector<16xi32>
      tpu.vector_store_idx %arg8[%parallel_loop3A_26, %parallel_loop3A_92], %parallel_loop3A_90 {add = true} : memref<4096x16xf32, #tpu.memory_space<vmem>>[vector<16xi32>, vector<16xi32>], vector<16xf32>,
      %parallel_loop3A_93 = arith.constant 11 : i32
      %parallel_loop3A_94 = arith.index_cast %parallel_loop3A_93 : i32 to index
      %parallel_loop3A_95 = arith.index_cast %parallel_loop3A_24 : i32 to index
      %parallel_loop3A_96 = tpu.vector_load %arg7[%parallel_loop3A_94, %parallel_loop3A_95] {strides = array<i32>} : memref<16x2048xf32, #tpu.memory_space<vmem>>, vector<16xf32>,
      %parallel_loop3A_97 = arith.constant 11 : i32
      %parallel_loop3A_98 = vector.broadcast %parallel_loop3A_97 : i32 to vector<16xi32>
      tpu.vector_store_idx %arg8[%parallel_loop3A_26, %parallel_loop3A_98], %parallel_loop3A_96 {add = true} : memref<4096x16xf32, #tpu.memory_space<vmem>>[vector<16xi32>, vector<16xi32>], vector<16xf32>,
      %parallel_loop3A_99 = arith.constant 12 : i32
      %parallel_loop3A_100 = arith.index_cast %parallel_loop3A_99 : i32 to index
      %parallel_loop3A_101 = arith.index_cast %parallel_loop3A_24 : i32 to index
      %parallel_loop3A_102 = tpu.vector_load %arg7[%parallel_loop3A_100, %parallel_loop3A_101] {strides = array<i32>} : memref<16x2048xf32, #tpu.memory_space<vmem>>, vector<16xf32>,
      %parallel_loop3A_103 = arith.constant 12 : i32
      %parallel_loop3A_104 = vector.broadcast %parallel_loop3A_103 : i32 to vector<16xi32>
      tpu.vector_store_idx %arg8[%parallel_loop3A_26, %parallel_loop3A_104], %parallel_loop3A_102 {add = true} : memref<4096x16xf32, #tpu.memory_space<vmem>>[vector<16xi32>, vector<16xi32>], vector<16xf32>,
      %parallel_loop3A_105 = arith.constant 13 : i32
      %parallel_loop3A_106 = arith.index_cast %parallel_loop3A_105 : i32 to index
      %parallel_loop3A_107 = arith.index_cast %parallel_loop3A_24 : i32 to index
      %parallel_loop3A_108 = tpu.vector_load %arg7[%parallel_loop3A_106, %parallel_loop3A_107] {strides = array<i32>} : memref<16x2048xf32, #tpu.memory_space<vmem>>, vector<16xf32>,
      %parallel_loop3A_109 = arith.constant 13 : i32
      %parallel_loop3A_110 = vector.broadcast %parallel_loop3A_109 : i32 to vector<16xi32>
      tpu.vector_store_idx %arg8[%parallel_loop3A_26, %parallel_loop3A_110], %parallel_loop3A_108 {add = true} : memref<4096x16xf32, #tpu.memory_space<vmem>>[vector<16xi32>, vector<16xi32>], vector<16xf32>,
      %parallel_loop3A_111 = arith.constant 14 : i32
      %parallel_loop3A_112 = arith.index_cast %parallel_loop3A_111 : i32 to index
      %parallel_loop3A_113 = arith.index_cast %parallel_loop3A_24 : i32 to index
      %parallel_loop3A_114 = tpu.vector_load %arg7[%parallel_loop3A_112, %parallel_loop3A_113] {strides = array<i32>} : memref<16x2048xf32, #tpu.memory_space<vmem>>, vector<16xf32>,
      %parallel_loop3A_115 = arith.constant 14 : i32
      %parallel_loop3A_116 = vector.broadcast %parallel_loop3A_115 : i32 to vector<16xi32>
      tpu.vector_store_idx %arg8[%parallel_loop3A_26, %parallel_loop3A_116], %parallel_loop3A_114 {add = true} : memref<4096x16xf32, #tpu.memory_space<vmem>>[vector<16xi32>, vector<16xi32>], vector<16xf32>,
      %parallel_loop3A_117 = arith.constant 15 : i32
      %parallel_loop3A_118 = arith.index_cast %parallel_loop3A_117 : i32 to index
      %parallel_loop3A_119 = arith.index_cast %parallel_loop3A_24 : i32 to index
      %parallel_loop3A_120 = tpu.vector_load %arg7[%parallel_loop3A_118, %parallel_loop3A_119] {strides = array<i32>} : memref<16x2048xf32, #tpu.memory_space<vmem>>, vector<16xf32>,
      %parallel_loop3A_121 = arith.constant 15 : i32
      %parallel_loop3A_122 = vector.broadcast %parallel_loop3A_121 : i32 to vector<16xi32>
      tpu.vector_store_idx %arg8[%parallel_loop3A_26, %parallel_loop3A_122], %parallel_loop3A_120 {add = true} : memref<4096x16xf32, #tpu.memory_space<vmem>>[vector<16xi32>, vector<16xi32>], vector<16xf32>,
    } {sc.loop_unroll_factor = 4 : i64, sc.parallel_access}
    %mul3A_20 = arith.constant 16 : i32
    %mul3A_21 = arith.muli %add3A_14, %mul3A_20 : i32
    "tpu.region"() ({
      %run_scoped3A = tpu.sem_alloc : memref<!tpu.dma_semaphore, #tpu.memory_space<semaphore_mem>>
      %dma_start3A = arith.constant 0 : i32
      %dma_start3A_22 = tpu.memref_slice %arg5[%dma_start3A, %mul3A_21] : memref<4096x1024xf32, #tpu.memory_space<hbm>> -> memref<4096x16xf32, #tpu.memory_space<hbm>>
      %dma_start3A_23 = arith.constant 0 : i32
      %dma_start3A_24 = tpu.memref_slice %arg5[%dma_start3A_23, %mul3A_21] : memref<4096x1024xf32, #tpu.memory_space<hbm>> -> memref<4096x16xf32, #tpu.memory_space<hbm>>
      tpu.enqueue_dma source(%arg8 : memref<4096x16xf32, #tpu.memory_space<vmem>>) target(%dma_start3A_24 : memref<4096x16xf32, #tpu.memory_space<hbm>>) target_semaphore(%run_scoped3A : memref<!tpu.dma_semaphore, #tpu.memory_space<semaphore_mem>>)
      %dma_wait3A = arith.constant 0 : i32
      %dma_wait3A_25 = tpu.memref_slice %arg5[%dma_wait3A, %mul3A_21] : memref<4096x1024xf32, #tpu.memory_space<hbm>> -> memref<4096x16xf32, #tpu.memory_space<hbm>>
      %dma_wait3A_26 = arith.constant 0 : i32
      %dma_wait3A_27 = tpu.memref_slice %arg5[%dma_wait3A_26, %mul3A_21] : memref<4096x1024xf32, #tpu.memory_space<hbm>> -> memref<4096x16xf32, #tpu.memory_space<hbm>>
      tpu.wait_dma2 semaphore(%run_scoped3A : memref<!tpu.dma_semaphore, #tpu.memory_space<semaphore_mem>>) src(%arg8 : memref<4096x16xf32, #tpu.memory_space<vmem>>) dst(%dma_wait3A_27 : memref<4096x16xf32, #tpu.memory_space<hbm>>)
      tpu.yield
    }) : () -> ()
    return
  }
}

module attributes {stable_mosaic.version = 14 : i64} {
  func.func @body(%arg0: i32, %arg1: memref<256x1024xf32, #tpu.memory_space<vmem>>, %arg2: memref<1024x1024xf32, #tpu.memory_space<vmem>>, %arg3: memref<1x2048xi32, #tpu.memory_space<vmem>>, %arg4: memref<256x1xi32, #tpu.memory_space<vmem>>, %arg5: memref<2048x1xi32, #tpu.memory_space<vmem>>, %arg6: memref<1x256xf32, #tpu.memory_space<vmem>>, %arg7: memref<1024x256xf32, #tpu.memory_space<vmem>>, %arg8: memref<256x1xi32, #tpu.memory_space<vmem>>, %arg9: memref<256x1xf32, #tpu.memory_space<vmem>>, %arg10: memref<1x256xf32, #tpu.memory_space<vmem>>) attributes {dimension_semantics = [#tpu.dimension_semantics<arbitrary>], iteration_bounds = array<i64: 8>, scalar_prefetch = 0 : i64, scratch_operands = 0 : i64, tpu.core_type = #tpu.core_type<tc>, window_params = [{transform_indices = @transform_0, window_bounds = array<i64: 256, 1024>}, {pipeline_mode = #tpu.pipeline_mode<synchronous>, transform_indices = @transform_1, window_bounds = array<i64: 1024, 1024>}, {pipeline_mode = #tpu.pipeline_mode<synchronous>, transform_indices = @transform_2, window_bounds = array<i64: 1, 2048>}, {transform_indices = @transform_3, window_bounds = array<i64: 256, 1>}, {pipeline_mode = #tpu.pipeline_mode<synchronous>, transform_indices = @transform_4, window_bounds = array<i64: 2048, 1>}, {transform_indices = @transform_5, window_bounds = array<i64: 1, 256>}, {transform_indices = @transform_6, window_bounds = array<i64: 1024, 256>}, {transform_indices = @transform_7, window_bounds = array<i64: 256, 1>}, {transform_indices = @transform_8, window_bounds = array<i64: 256, 1>}, {transform_indices = @transform_9, window_bounds = array<i64: 1, 256>}]} {
    %get3A = arith.constant 0 : index
    %get3A_0 = arith.constant 0 : index
    %get3A_1 = vector.load %arg1[%get3A, %get3A_0] : memref<256x1024xf32, #tpu.memory_space<vmem>>, vector<256x1024xf32>
    %get3A_2 = arith.constant 0 : index
    %get3A_3 = arith.constant 0 : index
    %get3A_4 = vector.load %arg2[%get3A_2, %get3A_3] : memref<1024x1024xf32, #tpu.memory_space<vmem>>, vector<1024x1024xf32>
    %dot_general3A = arith.constant dense<0.000000e+00> : vector<256x1024xf32>
    %dot_general3A_5 = tpu.matmul %get3A_1, %get3A_4, %dot_general3A {dimension_numbers = #tpu.dot_dimension_numbers<[1], [0], [0], [1], [0, 0, 1, 1], [], []>, transpose_lhs_hint = false} : vector<256x1024xf32>, vector<1024x1024xf32>, vector<256x1024xf32> -> vector<256x1024xf32>
    %sub3A = arith.subf %get3A_1, %dot_general3A_5 : vector<256x1024xf32>
    %integer_pow3A = arith.mulf %sub3A, %sub3A : vector<256x1024xf32>
    %reduce_sum3A = arith.constant dense<0.000000e+00> : vector<256xf32>
    %reduce_sum3A_6 = vector.multi_reduction <add>, %integer_pow3A, %reduce_sum3A [1] : vector<256x1024xf32> to vector<256xf32>
    %broadcast_in_dim3A = vector.shape_cast %reduce_sum3A_6 : vector<256xf32> to vector<256x1xf32>
    %div3A = arith.constant 1.024000e+03 : f32
    %div3A_7 = vector.broadcast %div3A : f32 to vector<256x1xf32>
    %div3A_8 = arith.divf %broadcast_in_dim3A, %div3A_7 : vector<256x1xf32>
    %sub3A_9 = arith.constant 1.000000e+00 : f32
    %sub3A_10 = vector.broadcast %sub3A_9 : f32 to vector<256x1xf32>
    %sub3A_11 = arith.subf %div3A_8, %sub3A_10 : vector<256x1xf32>
    %logistic3A = arith.negf %sub3A_11 : vector<256x1xf32>
    %logistic3A_12 = math.exp %logistic3A : vector<256x1xf32>
    %logistic3A_13 = arith.constant 1.000000e+00 : f32
    %logistic3A_14 = vector.broadcast %logistic3A_13 : f32 to vector<256x1xf32>
    %logistic3A_15 = arith.addf %logistic3A_14, %logistic3A_12 : vector<256x1xf32>
    %logistic3A_16 = arith.divf %logistic3A_14, %logistic3A_15 : vector<256x1xf32>
    %mul3A = vector.broadcast %logistic3A_16 : vector<256x1xf32> to vector<256x1024xf32>
    %mul3A_17 = arith.mulf %mul3A, %get3A_1 : vector<256x1024xf32>
    %transpose3A = tpu.transpose %mul3A_17, [1, 0] : vector<256x1024xf32> -> vector<1024x256xf32>
    %swap3A = arith.constant 0 : index
    %swap3A_18 = arith.constant 0 : index
    %swap3A_19 = vector.load %arg7[%swap3A, %swap3A_18] : memref<1024x256xf32, #tpu.memory_space<vmem>>, vector<1024x256xf32>
    tpu.vector_store %arg7[%swap3A, %swap3A_18], %transpose3A {strides = array<i32>} : memref<1024x256xf32, #tpu.memory_space<vmem>>, vector<1024x256xf32>,
    %get3A_20 = arith.constant 0 : index
    %get3A_21 = arith.constant 0 : index
    %get3A_22 = vector.load %arg3[%get3A_20, %get3A_21] : memref<1x2048xi32, #tpu.memory_space<vmem>>, vector<1x2048xi32>
    %get3A_23 = arith.constant 0 : index
    %get3A_24 = arith.constant 0 : index
    %get3A_25 = vector.load %arg4[%get3A_23, %get3A_24] : memref<256x1xi32, #tpu.memory_space<vmem>>, vector<256x1xi32>
    %get3A_26 = arith.constant 0 : index
    %get3A_27 = arith.constant 0 : index
    %get3A_28 = vector.load %arg5[%get3A_26, %get3A_27] : memref<2048x1xi32, #tpu.memory_space<vmem>>, vector<2048x1xi32>
    %mul3A_29 = arith.constant 256 : i32
    %mul3A_30 = arith.muli %arg0, %mul3A_29 : i32
    %iota3A = tpu.iota {dimensions = array<i32: 0>} : vector<256x1xi32>
    %add3A = vector.broadcast %mul3A_30 : i32 to vector<256x1xi32>
    %add3A_31 = arith.addi %add3A, %iota3A : vector<256x1xi32>
    %iota3A_32 = tpu.iota {dimensions = array<i32: 1>} : vector<256x2048xi32>
    %eq3A = vector.broadcast %get3A_25 : vector<256x1xi32> to vector<256x2048xi32>
    %eq3A_33 = vector.broadcast %get3A_22 : vector<1x2048xi32> to vector<256x2048xi32>
    %eq3A_34 = arith.cmpi eq, %eq3A, %eq3A_33 : vector<256x2048xi32>
    %gt3A = vector.broadcast %add3A_31 : vector<256x1xi32> to vector<256x2048xi32>
    %gt3A_35 = arith.cmpi sgt, %iota3A_32, %gt3A : vector<256x2048xi32>
    %and3A = arith.andi %eq3A_34, %gt3A_35 : vector<256x2048xi1>
    %reduce_or3A = arith.constant 1.000000e+00 : f32
    %reduce_or3A_36 = arith.constant 0.000000e+00 : f32
    %reduce_or3A_37 = vector.broadcast %reduce_or3A : f32 to vector<256x2048xf32>
    %reduce_or3A_38 = vector.broadcast %reduce_or3A_36 : f32 to vector<256x2048xf32>
    %reduce_or3A_39 = arith.select %and3A, %reduce_or3A_37, %reduce_or3A_38 : vector<256x2048xi1>, vector<256x2048xf32>
    %reduce_or3A_40 = arith.constant dense<0xFF800000> : vector<256xf32>
    %reduce_or3A_41 = vector.multi_reduction <maximumf>, %reduce_or3A_39, %reduce_or3A_40 [1] : vector<256x2048xf32> to vector<256xf32>
    %reduce_or3A_42 = arith.constant 0.000000e+00 : f32
    %reduce_or3A_43 = vector.broadcast %reduce_or3A_42 : f32 to vector<256xf32>
    %reduce_or3A_44 = arith.cmpf ogt, %reduce_or3A_41, %reduce_or3A_43 : vector<256xf32>
    %broadcast_in_dim3A_45 = vector.shape_cast %reduce_or3A_44 : vector<256xi1> to vector<256x1xi1>
    %not3A = arith.constant dense<true> : vector<256x1xi1>
    %not3A_46 = arith.xori %broadcast_in_dim3A_45, %not3A : vector<256x1xi1>
    %add3A_47 = arith.constant 2048 : i32
    %add3A_48 = vector.broadcast %add3A_47 : i32 to vector<256x1xi32>
    %add3A_49 = arith.addi %add3A_48, %add3A_31 : vector<256x1xi32>
    %select_n3A = arith.select %not3A_46, %get3A_25, %add3A_49 : vector<256x1xi1>, vector<256x1xi32>
    %swap3A_50 = arith.constant 0 : index
    %swap3A_51 = arith.constant 0 : index
    %swap3A_52 = vector.load %arg8[%swap3A_50, %swap3A_51] : memref<256x1xi32, #tpu.memory_space<vmem>>, vector<256x1xi32>
    tpu.vector_store %arg8[%swap3A_50, %swap3A_51], %select_n3A {strides = array<i32>} : memref<256x1xi32, #tpu.memory_space<vmem>>, vector<256x1xi32>,
    %eq3A_53 = vector.broadcast %get3A_22 : vector<1x2048xi32> to vector<256x2048xi32>
    %eq3A_54 = vector.broadcast %add3A_31 : vector<256x1xi32> to vector<256x2048xi32>
    %eq3A_55 = arith.cmpi eq, %eq3A_53, %eq3A_54 : vector<256x2048xi32>
    %reduce_or3A_56 = arith.constant 1.000000e+00 : f32
    %reduce_or3A_57 = arith.constant 0.000000e+00 : f32
    %reduce_or3A_58 = vector.broadcast %reduce_or3A_56 : f32 to vector<256x2048xf32>
    %reduce_or3A_59 = vector.broadcast %reduce_or3A_57 : f32 to vector<256x2048xf32>
    %reduce_or3A_60 = arith.select %eq3A_55, %reduce_or3A_58, %reduce_or3A_59 : vector<256x2048xi1>, vector<256x2048xf32>
    %reduce_or3A_61 = arith.constant dense<0xFF800000> : vector<256xf32>
    %reduce_or3A_62 = vector.multi_reduction <maximumf>, %reduce_or3A_60, %reduce_or3A_61 [1] : vector<256x2048xf32> to vector<256xf32>
    %reduce_or3A_63 = arith.constant 0.000000e+00 : f32
    %reduce_or3A_64 = vector.broadcast %reduce_or3A_63 : f32 to vector<256xf32>
    %reduce_or3A_65 = arith.cmpf ogt, %reduce_or3A_62, %reduce_or3A_64 : vector<256xf32>
    %broadcast_in_dim3A_66 = vector.shape_cast %reduce_or3A_65 : vector<256xi1> to vector<256x1xi1>
    %convert_element_type3A = arith.extui %broadcast_in_dim3A_66 : vector<256x1xi1> to vector<256x1xi32>
    %convert_element_type3A_67 = arith.sitofp %convert_element_type3A : vector<256x1xi32> to vector<256x1xf32>
    %swap3A_68 = arith.constant 0 : index
    %swap3A_69 = arith.constant 0 : index
    %swap3A_70 = vector.load %arg9[%swap3A_68, %swap3A_69] : memref<256x1xf32, #tpu.memory_space<vmem>>, vector<256x1xf32>
    tpu.vector_store %arg9[%swap3A_68, %swap3A_69], %convert_element_type3A_67 {strides = array<i32>} : memref<256x1xf32, #tpu.memory_space<vmem>>, vector<256x1xf32>,
    %mul3A_71 = arith.constant 256 : i32
    %mul3A_72 = arith.muli %arg0, %mul3A_71 : i32
    %iota3A_73 = tpu.iota {dimensions = array<i32: 1>} : vector<1x256xi32>
    %add3A_74 = vector.broadcast %mul3A_72 : i32 to vector<1x256xi32>
    %add3A_75 = arith.addi %add3A_74, %iota3A_73 : vector<1x256xi32>
    %eq3A_76 = vector.broadcast %get3A_28 : vector<2048x1xi32> to vector<2048x256xi32>
    %eq3A_77 = vector.broadcast %add3A_75 : vector<1x256xi32> to vector<2048x256xi32>
    %eq3A_78 = arith.cmpi eq, %eq3A_76, %eq3A_77 : vector<2048x256xi32>
    %reduce_or3A_79 = arith.constant 1.000000e+00 : f32
    %reduce_or3A_80 = arith.constant 0.000000e+00 : f32
    %reduce_or3A_81 = vector.broadcast %reduce_or3A_79 : f32 to vector<2048x256xf32>
    %reduce_or3A_82 = vector.broadcast %reduce_or3A_80 : f32 to vector<2048x256xf32>
    %reduce_or3A_83 = arith.select %eq3A_78, %reduce_or3A_81, %reduce_or3A_82 : vector<2048x256xi1>, vector<2048x256xf32>
    %reduce_or3A_84 = arith.constant dense<0xFF800000> : vector<256xf32>
    %reduce_or3A_85 = vector.multi_reduction <maximumf>, %reduce_or3A_83, %reduce_or3A_84 [0] : vector<2048x256xf32> to vector<256xf32>
    %reduce_or3A_86 = arith.constant 0.000000e+00 : f32
    %reduce_or3A_87 = vector.broadcast %reduce_or3A_86 : f32 to vector<256xf32>
    %reduce_or3A_88 = arith.cmpf ogt, %reduce_or3A_85, %reduce_or3A_87 : vector<256xf32>
    %broadcast_in_dim3A_89 = vector.shape_cast %reduce_or3A_88 : vector<256xi1> to vector<1x256xi1>
    %get3A_90 = arith.constant 0 : index
    %get3A_91 = arith.constant 0 : index
    %get3A_92 = vector.load %arg6[%get3A_90, %get3A_91] : memref<1x256xf32, #tpu.memory_space<vmem>>, vector<1x256xf32>
    %mul3A_93 = arith.constant 9.900000e-01 : f32
    %mul3A_94 = vector.broadcast %mul3A_93 : f32 to vector<1x256xf32>
    %mul3A_95 = arith.mulf %get3A_92, %mul3A_94 : vector<1x256xf32>
    %jit3A = arith.constant 1.000000e+00 : f32
    %broadcast_in_dim3A_96 = vector.broadcast %jit3A : f32 to vector<1x256xf32>
    %select_n3A_97 = arith.select %broadcast_in_dim3A_89, %broadcast_in_dim3A_96, %mul3A_95 : vector<1x256xi1>, vector<1x256xf32>
    %add3A_98 = arith.constant 9.99999997E-7 : f32
    %add3A_99 = vector.broadcast %add3A_98 : f32 to vector<1x256xf32>
    %add3A_100 = arith.addf %select_n3A_97, %add3A_99 : vector<1x256xf32>
    %log3A = math.log %add3A_100 : vector<1x256xf32>
    %swap3A_101 = arith.constant 0 : index
    %swap3A_102 = arith.constant 0 : index
    %swap3A_103 = vector.load %arg10[%swap3A_101, %swap3A_102] : memref<1x256xf32, #tpu.memory_space<vmem>>, vector<1x256xf32>
    tpu.vector_store %arg10[%swap3A_101, %swap3A_102], %log3A {strides = array<i32>} : memref<1x256xf32, #tpu.memory_space<vmem>>, vector<1x256xf32>,
    return
  }
  func.func @transform_0(%arg0: i32) -> (i32, i32) {
    %c0_i32 = arith.constant 0 : i32
    %c0_i32_0 = arith.constant 0 : i32
    return %arg0, %c0_i32 : i32, i32
  }
  func.func @transform_1(%arg0: i32) -> (i32, i32) {
    %c0_i32 = arith.constant 0 : i32
    %c0_i32_0 = arith.constant 0 : i32
    %c0_i32_1 = arith.constant 0 : i32
    return %c0_i32, %c0_i32_0 : i32, i32
  }
  func.func @transform_2(%arg0: i32) -> (i32, i32) {
    %c0_i32 = arith.constant 0 : i32
    %c0_i32_0 = arith.constant 0 : i32
    %c0_i32_1 = arith.constant 0 : i32
    return %c0_i32, %c0_i32_0 : i32, i32
  }
  func.func @transform_3(%arg0: i32) -> (i32, i32) {
    %c0_i32 = arith.constant 0 : i32
    %c0_i32_0 = arith.constant 0 : i32
    return %arg0, %c0_i32 : i32, i32
  }
  func.func @transform_4(%arg0: i32) -> (i32, i32) {
    %c0_i32 = arith.constant 0 : i32
    %c0_i32_0 = arith.constant 0 : i32
    %c0_i32_1 = arith.constant 0 : i32
    return %c0_i32, %c0_i32_0 : i32, i32
  }
  func.func @transform_5(%arg0: i32) -> (i32, i32) {
    %c0_i32 = arith.constant 0 : i32
    %c0_i32_0 = arith.constant 0 : i32
    return %c0_i32, %arg0 : i32, i32
  }
  func.func @transform_6(%arg0: i32) -> (i32, i32) {
    %c0_i32 = arith.constant 0 : i32
    %c0_i32_0 = arith.constant 0 : i32
    return %c0_i32, %arg0 : i32, i32
  }
  func.func @transform_7(%arg0: i32) -> (i32, i32) {
    %c0_i32 = arith.constant 0 : i32
    %c0_i32_0 = arith.constant 0 : i32
    return %arg0, %c0_i32 : i32, i32
  }
  func.func @transform_8(%arg0: i32) -> (i32, i32) {
    %c0_i32 = arith.constant 0 : i32
    %c0_i32_0 = arith.constant 0 : i32
    return %arg0, %c0_i32 : i32, i32
  }
  func.func @transform_9(%arg0: i32) -> (i32, i32) {
    %c0_i32 = arith.constant 0 : i32
    %c0_i32_0 = arith.constant 0 : i32
    return %c0_i32, %arg0 : i32, i32
  }
}

module attributes {stable_mosaic.version = 14 : i64} {
  func.func @body(%arg0: i32, %arg1: memref<2048x1024xf32, #tpu.memory_space<vmem>>, %arg2: memref<512x1024xf32, #tpu.memory_space<vmem>>, %arg3: memref<512x1024xf32, #tpu.memory_space<vmem>>, %arg4: memref<512x1024xf32, #tpu.memory_space<vmem>>, %arg5: memref<2048x1024xf32, #tpu.memory_space<vmem>>, %arg6: memref<2048x1024xf32, #tpu.memory_space<vmem>>, %arg7: memref<2048x128xf32, #tpu.memory_space<vmem>>, %arg8: memref<2048x128xf32, #tpu.memory_space<vmem>>) attributes {dimension_semantics = [#tpu.dimension_semantics<arbitrary>], iteration_bounds = array<i64: 8>, scalar_prefetch = 0 : i64, scratch_operands = 3 : i64, tpu.core_type = #tpu.core_type<tc>, window_params = [{pipeline_mode = #tpu.pipeline_mode<synchronous>, transform_indices = @transform_0, window_bounds = array<i64: 2048, 1024>}, {transform_indices = @transform_1, window_bounds = array<i64: 512, 1024>}, {transform_indices = @transform_2, window_bounds = array<i64: 512, 1024>}, {transform_indices = @transform_3, window_bounds = array<i64: 512, 1024>}, {pipeline_mode = #tpu.pipeline_mode<synchronous>, transform_indices = @transform_4, window_bounds = array<i64: 2048, 1024>}]} {
    %eq3A = arith.constant 0 : i32
    %eq3A_0 = arith.cmpi eq, %arg0, %eq3A : i32
    %convert_element_type3A = arith.extui %eq3A_0 : i1 to i32
    %cond3A = arith.constant 0 : i32
    %cond3A_1 = arith.cmpi ne, %convert_element_type3A, %cond3A : i32
    scf.if %cond3A_1 {
      %broadcast_in_dim3A_57 = arith.constant -1.000000e+30 : f32
      %broadcast_in_dim3A_58 = vector.broadcast %broadcast_in_dim3A_57 : f32 to vector<2048x128xf32>
      %swap3A_59 = arith.constant 0 : index
      %swap3A_60 = arith.constant 0 : index
      %swap3A_61 = vector.load %arg7[%swap3A_59, %swap3A_60] : memref<2048x128xf32, #tpu.memory_space<vmem>>, vector<2048x128xf32>
      tpu.vector_store %arg7[%swap3A_59, %swap3A_60], %broadcast_in_dim3A_58 {strides = array<i32>} : memref<2048x128xf32, #tpu.memory_space<vmem>>, vector<2048x128xf32>,
      %broadcast_in_dim3A_62 = arith.constant 0.000000e+00 : f32
      %broadcast_in_dim3A_63 = vector.broadcast %broadcast_in_dim3A_62 : f32 to vector<2048x128xf32>
      %swap3A_64 = arith.constant 0 : index
      %swap3A_65 = arith.constant 0 : index
      %swap3A_66 = vector.load %arg8[%swap3A_64, %swap3A_65] : memref<2048x128xf32, #tpu.memory_space<vmem>>, vector<2048x128xf32>
      tpu.vector_store %arg8[%swap3A_64, %swap3A_65], %broadcast_in_dim3A_63 {strides = array<i32>} : memref<2048x128xf32, #tpu.memory_space<vmem>>, vector<2048x128xf32>,
      %broadcast_in_dim3A_67 = arith.constant 0.000000e+00 : f32
      %broadcast_in_dim3A_68 = vector.broadcast %broadcast_in_dim3A_67 : f32 to vector<2048x1024xf32>
      %swap3A_69 = arith.constant 0 : index
      %swap3A_70 = arith.constant 0 : index
      %swap3A_71 = vector.load %arg6[%swap3A_69, %swap3A_70] : memref<2048x1024xf32, #tpu.memory_space<vmem>>, vector<2048x1024xf32>
      tpu.vector_store %arg6[%swap3A_69, %swap3A_70], %broadcast_in_dim3A_68 {strides = array<i32>} : memref<2048x1024xf32, #tpu.memory_space<vmem>>, vector<2048x1024xf32>,
    } else {
    }
    %get3A = arith.constant 0 : index
    %get3A_2 = arith.constant 0 : index
    %get3A_3 = vector.load %arg1[%get3A, %get3A_2] : memref<2048x1024xf32, #tpu.memory_space<vmem>>, vector<2048x1024xf32>
    %get3A_4 = arith.constant 0 : index
    %get3A_5 = arith.constant 0 : index
    %get3A_6 = vector.load %arg4[%get3A_4, %get3A_5] : memref<512x1024xf32, #tpu.memory_space<vmem>>, vector<512x1024xf32>
    %get3A_7 = arith.constant 0 : index
    %get3A_8 = arith.constant 0 : index
    %get3A_9 = vector.load %arg2[%get3A_7, %get3A_8] : memref<512x1024xf32, #tpu.memory_space<vmem>>, vector<512x1024xf32>
    %add3A = arith.addf %get3A_9, %get3A_6 : vector<512x1024xf32>
    %dot_general3A = arith.constant dense<0.000000e+00> : vector<2048x512xf32>
    %dot_general3A_10 = tpu.matmul %get3A_3, %add3A, %dot_general3A {dimension_numbers = #tpu.dot_dimension_numbers<[1], [1], [0], [0], [0, 0, 1, 0], [], []>, transpose_lhs_hint = false} : vector<2048x1024xf32>, vector<512x1024xf32>, vector<2048x512xf32> -> vector<2048x512xf32>
    %mul3A = arith.constant 3.125000e-02 : f32
    %mul3A_11 = vector.broadcast %mul3A : f32 to vector<2048x512xf32>
    %mul3A_12 = arith.mulf %dot_general3A_10, %mul3A_11 : vector<2048x512xf32>
    %get3A_13 = arith.constant 0 : index
    %get3A_14 = arith.constant 0 : index
    %get3A_15 = vector.load %arg7[%get3A_13, %get3A_14] : memref<2048x128xf32, #tpu.memory_space<vmem>>, vector<2048x128xf32>
    %slice3A = vector.extract_strided_slice %get3A_15 {offsets = [0, 0], sizes = [2048, 1], strides = [1, 1]} : vector<2048x128xf32> to vector<2048x1xf32>
    %reduce_max3A = arith.constant dense<0xFF800000> : vector<2048xf32>
    %reduce_max3A_16 = vector.multi_reduction <maximumf>, %mul3A_12, %reduce_max3A [1] : vector<2048x512xf32> to vector<2048xf32>
    %broadcast_in_dim3A = vector.shape_cast %reduce_max3A_16 : vector<2048xf32> to vector<2048x1xf32>
    %max3A = arith.maximumf %slice3A, %broadcast_in_dim3A : vector<2048x1xf32>
    %sub3A = arith.subf %slice3A, %max3A : vector<2048x1xf32>
    %exp3A = math.exp %sub3A : vector<2048x1xf32>
    %sub3A_17 = vector.broadcast %max3A : vector<2048x1xf32> to vector<2048x512xf32>
    %sub3A_18 = arith.subf %mul3A_12, %sub3A_17 : vector<2048x512xf32>
    %exp3A_19 = math.exp %sub3A_18 : vector<2048x512xf32>
    %get3A_20 = arith.constant 0 : index
    %get3A_21 = arith.constant 0 : index
    %get3A_22 = vector.load %arg8[%get3A_20, %get3A_21] : memref<2048x128xf32, #tpu.memory_space<vmem>>, vector<2048x128xf32>
    %slice3A_23 = vector.extract_strided_slice %get3A_22 {offsets = [0, 0], sizes = [2048, 1], strides = [1, 1]} : vector<2048x128xf32> to vector<2048x1xf32>
    %mul3A_24 = arith.mulf %slice3A_23, %exp3A : vector<2048x1xf32>
    %reduce_sum3A = arith.constant dense<0.000000e+00> : vector<2048xf32>
    %reduce_sum3A_25 = vector.multi_reduction <add>, %exp3A_19, %reduce_sum3A [1] : vector<2048x512xf32> to vector<2048xf32>
    %broadcast_in_dim3A_26 = vector.shape_cast %reduce_sum3A_25 : vector<2048xf32> to vector<2048x1xf32>
    %add3A_27 = arith.addf %mul3A_24, %broadcast_in_dim3A_26 : vector<2048x1xf32>
    %get3A_28 = arith.constant 0 : index
    %get3A_29 = arith.constant 0 : index
    %get3A_30 = vector.load %arg6[%get3A_28, %get3A_29] : memref<2048x1024xf32, #tpu.memory_space<vmem>>, vector<2048x1024xf32>
    %mul3A_31 = vector.broadcast %exp3A : vector<2048x1xf32> to vector<2048x1024xf32>
    %mul3A_32 = arith.mulf %get3A_30, %mul3A_31 : vector<2048x1024xf32>
    %get3A_33 = arith.constant 0 : index
    %get3A_34 = arith.constant 0 : index
    %get3A_35 = vector.load %arg3[%get3A_33, %get3A_34] : memref<512x1024xf32, #tpu.memory_space<vmem>>, vector<512x1024xf32>
    %add3A_36 = arith.addf %get3A_35, %get3A_6 : vector<512x1024xf32>
    %dot_general3A_37 = arith.constant dense<0.000000e+00> : vector<2048x1024xf32>
    %dot_general3A_38 = tpu.matmul %exp3A_19, %add3A_36, %dot_general3A_37 {dimension_numbers = #tpu.dot_dimension_numbers<[1], [0], [0], [1], [0, 0, 1, 1], [], []>, transpose_lhs_hint = false} : vector<2048x512xf32>, vector<512x1024xf32>, vector<2048x1024xf32> -> vector<2048x1024xf32>
    %add3A_39 = arith.addf %mul3A_32, %dot_general3A_38 : vector<2048x1024xf32>
    %swap3A = arith.constant 0 : index
    %swap3A_40 = arith.constant 0 : index
    %swap3A_41 = vector.load %arg6[%swap3A, %swap3A_40] : memref<2048x1024xf32, #tpu.memory_space<vmem>>, vector<2048x1024xf32>
    tpu.vector_store %arg6[%swap3A, %swap3A_40], %add3A_39 {strides = array<i32>} : memref<2048x1024xf32, #tpu.memory_space<vmem>>, vector<2048x1024xf32>,
    %broadcast_in_dim3A_42 = vector.shape_cast %max3A : vector<2048x1xf32> to vector<2048x1xf32>
    %broadcast_in_dim3A_43 = vector.broadcast %broadcast_in_dim3A_42 : vector<2048x1xf32> to vector<2048x128xf32>
    %swap3A_44 = arith.constant 0 : index
    %swap3A_45 = arith.constant 0 : index
    %swap3A_46 = vector.load %arg7[%swap3A_44, %swap3A_45] : memref<2048x128xf32, #tpu.memory_space<vmem>>, vector<2048x128xf32>
    tpu.vector_store %arg7[%swap3A_44, %swap3A_45], %broadcast_in_dim3A_43 {strides = array<i32>} : memref<2048x128xf32, #tpu.memory_space<vmem>>, vector<2048x128xf32>,
    %broadcast_in_dim3A_47 = vector.shape_cast %add3A_27 : vector<2048x1xf32> to vector<2048x1xf32>
    %broadcast_in_dim3A_48 = vector.broadcast %broadcast_in_dim3A_47 : vector<2048x1xf32> to vector<2048x128xf32>
    %swap3A_49 = arith.constant 0 : index
    %swap3A_50 = arith.constant 0 : index
    %swap3A_51 = vector.load %arg8[%swap3A_49, %swap3A_50] : memref<2048x128xf32, #tpu.memory_space<vmem>>, vector<2048x128xf32>
    tpu.vector_store %arg8[%swap3A_49, %swap3A_50], %broadcast_in_dim3A_48 {strides = array<i32>} : memref<2048x128xf32, #tpu.memory_space<vmem>>, vector<2048x128xf32>,
    %eq3A_52 = arith.constant 7 : i32
    %eq3A_53 = arith.cmpi eq, %arg0, %eq3A_52 : i32
    %convert_element_type3A_54 = arith.extui %eq3A_53 : i1 to i32
    %cond3A_55 = arith.constant 0 : i32
    %cond3A_56 = arith.cmpi ne, %convert_element_type3A_54, %cond3A_55 : i32
    scf.if %cond3A_56 {
      %get3A_57 = arith.constant 0 : index
      %get3A_58 = arith.constant 0 : index
      %get3A_59 = vector.load %arg6[%get3A_57, %get3A_58] : memref<2048x1024xf32, #tpu.memory_space<vmem>>, vector<2048x1024xf32>
      %get3A_60 = arith.constant 0 : index
      %get3A_61 = arith.constant 0 : index
      %get3A_62 = vector.load %arg8[%get3A_60, %get3A_61] : memref<2048x128xf32, #tpu.memory_space<vmem>>, vector<2048x128xf32>
      %slice3A_63 = vector.extract_strided_slice %get3A_62 {offsets = [0, 0], sizes = [2048, 1], strides = [1, 1]} : vector<2048x128xf32> to vector<2048x1xf32>
      %div3A = vector.broadcast %slice3A_63 : vector<2048x1xf32> to vector<2048x1024xf32>
      %div3A_64 = arith.divf %get3A_59, %div3A : vector<2048x1024xf32>
      %swap3A_65 = arith.constant 0 : index
      %swap3A_66 = arith.constant 0 : index
      %swap3A_67 = vector.load %arg5[%swap3A_65, %swap3A_66] : memref<2048x1024xf32, #tpu.memory_space<vmem>>, vector<2048x1024xf32>
      tpu.vector_store %arg5[%swap3A_65, %swap3A_66], %div3A_64 {strides = array<i32>} : memref<2048x1024xf32, #tpu.memory_space<vmem>>, vector<2048x1024xf32>,
    } else {
    }
    return
  }
  func.func @transform_0(%arg0: i32) -> (i32, i32) {
    %c0_i32 = arith.constant 0 : i32
    %c0_i32_0 = arith.constant 0 : i32
    %c0_i32_1 = arith.constant 0 : i32
    return %c0_i32, %c0_i32_0 : i32, i32
  }
  func.func @transform_1(%arg0: i32) -> (i32, i32) {
    %c0_i32 = arith.constant 0 : i32
    %c0_i32_0 = arith.constant 0 : i32
    return %arg0, %c0_i32 : i32, i32
  }
  func.func @transform_2(%arg0: i32) -> (i32, i32) {
    %c0_i32 = arith.constant 0 : i32
    %c0_i32_0 = arith.constant 0 : i32
    return %arg0, %c0_i32 : i32, i32
  }
  func.func @transform_3(%arg0: i32) -> (i32, i32) {
    %c0_i32 = arith.constant 0 : i32
    %c0_i32_0 = arith.constant 0 : i32
    return %arg0, %c0_i32 : i32, i32
  }
  func.func @transform_4(%arg0: i32) -> (i32, i32) {
    %c0_i32 = arith.constant 0 : i32
    %c0_i32_0 = arith.constant 0 : i32
    %c0_i32_1 = arith.constant 0 : i32
    return %c0_i32, %c0_i32_0 : i32, i32
  }
}

module attributes {stable_mosaic.version = 14 : i64} {
  func.func @body(%arg0: i32, %arg1: memref<256x1024xf32, #tpu.memory_space<vmem>>, %arg2: memref<2048x1024xf32, #tpu.memory_space<vmem>>, %arg3: memref<2048x1024xf32, #tpu.memory_space<vmem>>, %arg4: memref<2048x1xf32, #tpu.memory_space<vmem>>, %arg5: memref<1x2048xf32, #tpu.memory_space<vmem>>, %arg6: memref<256x1024xf32, #tpu.memory_space<vmem>>) attributes {dimension_semantics = [#tpu.dimension_semantics<arbitrary>], iteration_bounds = array<i64: 8>, scalar_prefetch = 0 : i64, scratch_operands = 0 : i64, tpu.core_type = #tpu.core_type<tc>, window_params = [{transform_indices = @transform_0, window_bounds = array<i64: 256, 1024>}, {transform_indices = @transform_1, window_bounds = array<i64: 2048, 1024>}, {pipeline_mode = #tpu.pipeline_mode<synchronous>, transform_indices = @transform_2, window_bounds = array<i64: 2048, 1024>}, {pipeline_mode = #tpu.pipeline_mode<synchronous>, transform_indices = @transform_3, window_bounds = array<i64: 2048, 1>}, {pipeline_mode = #tpu.pipeline_mode<synchronous>, transform_indices = @transform_4, window_bounds = array<i64: 1, 2048>}, {transform_indices = @transform_5, window_bounds = array<i64: 256, 1024>}]} {
    %get3A = arith.constant 0 : index
    %get3A_0 = arith.constant 0 : index
    %get3A_1 = vector.load %arg1[%get3A, %get3A_0] : memref<256x1024xf32, #tpu.memory_space<vmem>>, vector<256x1024xf32>
    %get3A_2 = arith.constant 0 : index
    %get3A_3 = arith.constant 0 : index
    %get3A_4 = vector.load %arg4[%get3A_2, %get3A_3] : memref<2048x1xf32, #tpu.memory_space<vmem>>, vector<2048x1xf32>
    %gt3A = arith.constant 0.000000e+00 : f32
    %gt3A_5 = vector.broadcast %gt3A : f32 to vector<2048x1xf32>
    %gt3A_6 = arith.cmpf ogt, %get3A_4, %gt3A_5 : vector<2048x1xf32>
    %get3A_7 = arith.constant 0 : index
    %get3A_8 = arith.constant 0 : index
    %get3A_9 = vector.load %arg2[%get3A_7, %get3A_8] : memref<2048x1024xf32, #tpu.memory_space<vmem>>, vector<2048x1024xf32>
    %get3A_10 = arith.constant 0 : index
    %get3A_11 = arith.constant 0 : index
    %get3A_12 = vector.load %arg3[%get3A_10, %get3A_11] : memref<2048x1024xf32, #tpu.memory_space<vmem>>, vector<2048x1024xf32>
    %broadcast_in_dim3A = vector.shape_cast %gt3A_6 : vector<2048x1xi1> to vector<2048x1xi1>
    %broadcast_in_dim3A_13 = vector.broadcast %broadcast_in_dim3A : vector<2048x1xi1> to vector<2048x1024xi1>
    %select_n3A = arith.select %broadcast_in_dim3A_13, %get3A_9, %get3A_12 : vector<2048x1024xi1>, vector<2048x1024xf32>
    %dot_general3A = arith.constant dense<0.000000e+00> : vector<256x2048xf32>
    %dot_general3A_14 = tpu.matmul %get3A_1, %select_n3A, %dot_general3A {dimension_numbers = #tpu.dot_dimension_numbers<[1], [1], [0], [0], [0, 0, 1, 0], [], []>, transpose_lhs_hint = false} : vector<256x1024xf32>, vector<2048x1024xf32>, vector<256x2048xf32> -> vector<256x2048xf32>
    %mul3A = arith.constant 3.125000e-02 : f32
    %mul3A_15 = vector.broadcast %mul3A : f32 to vector<256x2048xf32>
    %mul3A_16 = arith.mulf %dot_general3A_14, %mul3A_15 : vector<256x2048xf32>
    %get3A_17 = arith.constant 0 : index
    %get3A_18 = arith.constant 0 : index
    %get3A_19 = vector.load %arg5[%get3A_17, %get3A_18] : memref<1x2048xf32, #tpu.memory_space<vmem>>, vector<1x2048xf32>
    %add3A = vector.broadcast %get3A_19 : vector<1x2048xf32> to vector<256x2048xf32>
    %add3A_20 = arith.addf %mul3A_16, %add3A : vector<256x2048xf32>
    %reduce_max3A = arith.constant dense<0xFF800000> : vector<256xf32>
    %reduce_max3A_21 = vector.multi_reduction <maximumf>, %add3A_20, %reduce_max3A [1] : vector<256x2048xf32> to vector<256xf32>
    %broadcast_in_dim3A_22 = vector.shape_cast %reduce_max3A_21 : vector<256xf32> to vector<256x1xf32>
    %sub3A = vector.broadcast %broadcast_in_dim3A_22 : vector<256x1xf32> to vector<256x2048xf32>
    %sub3A_23 = arith.subf %add3A_20, %sub3A : vector<256x2048xf32>
    %exp3A = math.exp %sub3A_23 : vector<256x2048xf32>
    %reduce_sum3A = arith.constant dense<0.000000e+00> : vector<256xf32>
    %reduce_sum3A_24 = vector.multi_reduction <add>, %exp3A, %reduce_sum3A [1] : vector<256x2048xf32> to vector<256xf32>
    %broadcast_in_dim3A_25 = vector.shape_cast %reduce_sum3A_24 : vector<256xf32> to vector<256x1xf32>
    %div3A = vector.broadcast %broadcast_in_dim3A_25 : vector<256x1xf32> to vector<256x2048xf32>
    %div3A_26 = arith.divf %exp3A, %div3A : vector<256x2048xf32>
    %dot_general3A_27 = arith.constant dense<0.000000e+00> : vector<256x1024xf32>
    %dot_general3A_28 = tpu.matmul %div3A_26, %select_n3A, %dot_general3A_27 {dimension_numbers = #tpu.dot_dimension_numbers<[1], [0], [0], [1], [0, 0, 1, 1], [], []>, transpose_lhs_hint = false} : vector<256x2048xf32>, vector<2048x1024xf32>, vector<256x1024xf32> -> vector<256x1024xf32>
    %swap3A = arith.constant 0 : index
    %swap3A_29 = arith.constant 0 : index
    %swap3A_30 = vector.load %arg6[%swap3A, %swap3A_29] : memref<256x1024xf32, #tpu.memory_space<vmem>>, vector<256x1024xf32>
    tpu.vector_store %arg6[%swap3A, %swap3A_29], %dot_general3A_28 {strides = array<i32>} : memref<256x1024xf32, #tpu.memory_space<vmem>>, vector<256x1024xf32>,
    return
  }
  func.func @transform_0(%arg0: i32) -> (i32, i32) {
    %c0_i32 = arith.constant 0 : i32
    %c0_i32_0 = arith.constant 0 : i32
    return %arg0, %c0_i32 : i32, i32
  }
  func.func @transform_1(%arg0: i32) -> (i32, i32) {
    %c0_i32 = arith.constant 0 : i32
    %c0_i32_0 = arith.constant 0 : i32
    %c0_i32_1 = arith.constant 0 : i32
    return %c0_i32, %c0_i32_0 : i32, i32
  }
  func.func @transform_2(%arg0: i32) -> (i32, i32) {
    %c0_i32 = arith.constant 0 : i32
    %c0_i32_0 = arith.constant 0 : i32
    %c0_i32_1 = arith.constant 0 : i32
    return %c0_i32, %c0_i32_0 : i32, i32
  }
  func.func @transform_3(%arg0: i32) -> (i32, i32) {
    %c0_i32 = arith.constant 0 : i32
    %c0_i32_0 = arith.constant 0 : i32
    %c0_i32_1 = arith.constant 0 : i32
    return %c0_i32, %c0_i32_0 : i32, i32
  }
  func.func @transform_4(%arg0: i32) -> (i32, i32) {
    %c0_i32 = arith.constant 0 : i32
    %c0_i32_0 = arith.constant 0 : i32
    %c0_i32_1 = arith.constant 0 : i32
    return %c0_i32, %c0_i32_0 : i32, i32
  }
  func.func @transform_5(%arg0: i32) -> (i32, i32) {
    %c0_i32 = arith.constant 0 : i32
    %c0_i32_0 = arith.constant 0 : i32
    return %arg0, %c0_i32 : i32, i32
  }
}

module attributes {stable_mosaic.version = 14 : i64} {
  func.func @body(%arg0: i32, %arg1: memref<256x1024xf32, #tpu.memory_space<vmem>>, %arg2: memref<256x1024xf32, #tpu.memory_space<vmem>>, %arg3: memref<256x1024xf32, #tpu.memory_space<vmem>>, %arg4: memref<3072x1024xf32, #tpu.memory_space<vmem>>, %arg5: memref<1x1024xf32, #tpu.memory_space<vmem>>, %arg6: memref<1x1024xf32, #tpu.memory_space<vmem>>, %arg7: memref<1x1024xf32, #tpu.memory_space<vmem>>, %arg8: memref<2xf32, #tpu.memory_space<smem>>, %arg9: memref<1024x1024xf32, #tpu.memory_space<vmem>>, %arg10: memref<1x1024xf32, #tpu.memory_space<vmem>>, %arg11: memref<1x1024xf32, #tpu.memory_space<vmem>>, %arg12: memref<1x1024xf32, #tpu.memory_space<vmem>>, %arg13: memref<256x1024xf32, #tpu.memory_space<vmem>>) attributes {dimension_semantics = [#tpu.dimension_semantics<arbitrary>], iteration_bounds = array<i64: 8>, scalar_prefetch = 0 : i64, scratch_operands = 0 : i64, tpu.core_type = #tpu.core_type<tc>, window_params = [{transform_indices = @transform_0, window_bounds = array<i64: 256, 1024>}, {transform_indices = @transform_1, window_bounds = array<i64: 256, 1024>}, {transform_indices = @transform_2, window_bounds = array<i64: 256, 1024>}, {pipeline_mode = #tpu.pipeline_mode<synchronous>, transform_indices = @transform_3, window_bounds = array<i64: 3072, 1024>}, {pipeline_mode = #tpu.pipeline_mode<synchronous>, transform_indices = @transform_4, window_bounds = array<i64: 1, 1024>}, {pipeline_mode = #tpu.pipeline_mode<synchronous>, transform_indices = @transform_5, window_bounds = array<i64: 1, 1024>}, {pipeline_mode = #tpu.pipeline_mode<synchronous>, transform_indices = @transform_6, window_bounds = array<i64: 1, 1024>}, {transform_indices = @transform_7, window_bounds = array<i64: 2>}, {pipeline_mode = #tpu.pipeline_mode<synchronous>, transform_indices = @transform_8, window_bounds = array<i64: 1024, 1024>}, {pipeline_mode = #tpu.pipeline_mode<synchronous>, transform_indices = @transform_9, window_bounds = array<i64: 1, 1024>}, {pipeline_mode = #tpu.pipeline_mode<synchronous>, transform_indices = @transform_10, window_bounds = array<i64: 1, 1024>}, {pipeline_mode = #tpu.pipeline_mode<synchronous>, transform_indices = @transform_11, window_bounds = array<i64: 1, 1024>}, {transform_indices = @transform_12, window_bounds = array<i64: 256, 1024>}]} {
    %get3A = arith.constant 0 : index
    %get3A_0 = arith.constant 0 : index
    %get3A_1 = vector.load %arg1[%get3A, %get3A_0] : memref<256x1024xf32, #tpu.memory_space<vmem>>, vector<256x1024xf32>
    %get3A_2 = arith.constant 0 : index
    %get3A_3 = arith.constant 0 : index
    %get3A_4 = vector.load %arg2[%get3A_2, %get3A_3] : memref<256x1024xf32, #tpu.memory_space<vmem>>, vector<256x1024xf32>
    %get3A_5 = arith.constant 0 : index
    %get3A_6 = arith.constant 0 : index
    %get3A_7 = vector.load %arg3[%get3A_5, %get3A_6] : memref<256x1024xf32, #tpu.memory_space<vmem>>, vector<256x1024xf32>
    %get3A_8 = arith.constant 0 : index
    %get3A_9 = arith.constant 0 : index
    %get3A_10 = vector.load %arg4[%get3A_8, %get3A_9] : memref<3072x1024xf32, #tpu.memory_space<vmem>>, vector<1024x1024xf32>
    %dot_general3A = arith.constant dense<0.000000e+00> : vector<256x1024xf32>
    %dot_general3A_11 = tpu.matmul %get3A_1, %get3A_10, %dot_general3A {dimension_numbers = #tpu.dot_dimension_numbers<[1], [0], [0], [1], [0, 0, 1, 1], [], []>, transpose_lhs_hint = false} : vector<256x1024xf32>, vector<1024x1024xf32>, vector<256x1024xf32> -> vector<256x1024xf32>
    %get3A_12 = arith.constant 1024 : index
    %get3A_13 = arith.constant 0 : index
    %get3A_14 = vector.load %arg4[%get3A_12, %get3A_13] : memref<3072x1024xf32, #tpu.memory_space<vmem>>, vector<1024x1024xf32>
    %dot_general3A_15 = arith.constant dense<0.000000e+00> : vector<256x1024xf32>
    %dot_general3A_16 = tpu.matmul %get3A_4, %get3A_14, %dot_general3A_15 {dimension_numbers = #tpu.dot_dimension_numbers<[1], [0], [0], [1], [0, 0, 1, 1], [], []>, transpose_lhs_hint = false} : vector<256x1024xf32>, vector<1024x1024xf32>, vector<256x1024xf32> -> vector<256x1024xf32>
    %add3A = arith.addf %dot_general3A_11, %dot_general3A_16 : vector<256x1024xf32>
    %get3A_17 = arith.constant 2048 : index
    %get3A_18 = arith.constant 0 : index
    %get3A_19 = vector.load %arg4[%get3A_17, %get3A_18] : memref<3072x1024xf32, #tpu.memory_space<vmem>>, vector<1024x1024xf32>
    %dot_general3A_20 = arith.constant dense<0.000000e+00> : vector<256x1024xf32>
    %dot_general3A_21 = tpu.matmul %get3A_7, %get3A_19, %dot_general3A_20 {dimension_numbers = #tpu.dot_dimension_numbers<[1], [0], [0], [1], [0, 0, 1, 1], [], []>, transpose_lhs_hint = false} : vector<256x1024xf32>, vector<1024x1024xf32>, vector<256x1024xf32> -> vector<256x1024xf32>
    %add3A_22 = arith.addf %add3A, %dot_general3A_21 : vector<256x1024xf32>
    %get3A_23 = arith.constant 0 : index
    %get3A_24 = arith.constant 0 : index
    %get3A_25 = vector.load %arg5[%get3A_23, %get3A_24] : memref<1x1024xf32, #tpu.memory_space<vmem>>, vector<1x1024xf32>
    %add3A_26 = vector.broadcast %get3A_25 : vector<1x1024xf32> to vector<256x1024xf32>
    %add3A_27 = arith.addf %add3A_22, %add3A_26 : vector<256x1024xf32>
    %integer_pow3A = arith.mulf %add3A_27, %add3A_27 : vector<256x1024xf32>
    %integer_pow3A_28 = arith.mulf %add3A_27, %integer_pow3A : vector<256x1024xf32>
    %mul3A = arith.constant 4.471500e-02 : f32
    %mul3A_29 = vector.broadcast %mul3A : f32 to vector<256x1024xf32>
    %mul3A_30 = arith.mulf %mul3A_29, %integer_pow3A_28 : vector<256x1024xf32>
    %add3A_31 = arith.addf %add3A_27, %mul3A_30 : vector<256x1024xf32>
    %mul3A_32 = arith.constant 0.797884583 : f32
    %mul3A_33 = vector.broadcast %mul3A_32 : f32 to vector<256x1024xf32>
    %mul3A_34 = arith.mulf %mul3A_33, %add3A_31 : vector<256x1024xf32>
    %tanh3A = math.tanh %mul3A_34 : vector<256x1024xf32>
    %add3A_35 = arith.constant 1.000000e+00 : f32
    %add3A_36 = vector.broadcast %add3A_35 : f32 to vector<256x1024xf32>
    %add3A_37 = arith.addf %add3A_36, %tanh3A : vector<256x1024xf32>
    %mul3A_38 = arith.constant 5.000000e-01 : f32
    %mul3A_39 = vector.broadcast %mul3A_38 : f32 to vector<256x1024xf32>
    %mul3A_40 = arith.mulf %mul3A_39, %add3A_37 : vector<256x1024xf32>
    %mul3A_41 = arith.mulf %add3A_27, %mul3A_40 : vector<256x1024xf32>
    %get3A_42 = arith.constant 0 : index
    %get3A_43 = arith.constant 0 : index
    %get3A_44 = vector.load %arg6[%get3A_42, %get3A_43] : memref<1x1024xf32, #tpu.memory_space<vmem>>, vector<1x1024xf32>
    %mul3A_45 = vector.broadcast %get3A_44 : vector<1x1024xf32> to vector<256x1024xf32>
    %mul3A_46 = arith.mulf %mul3A_41, %mul3A_45 : vector<256x1024xf32>
    %reduce_sum3A = arith.constant dense<0.000000e+00> : vector<256xf32>
    %reduce_sum3A_47 = vector.multi_reduction <add>, %mul3A_46, %reduce_sum3A [1] : vector<256x1024xf32> to vector<256xf32>
    %broadcast_in_dim3A = vector.shape_cast %reduce_sum3A_47 : vector<256xf32> to vector<256x1xf32>
    %get3A_48 = arith.constant 0 : index
    %get3A_49 = memref.load %arg8[%get3A_48] : memref<2xf32, #tpu.memory_space<smem>>
    %add3A_50 = vector.broadcast %get3A_49 : f32 to vector<256x1xf32>
    %add3A_51 = arith.addf %broadcast_in_dim3A, %add3A_50 : vector<256x1xf32>
    %logistic3A = arith.negf %add3A_51 : vector<256x1xf32>
    %logistic3A_52 = math.exp %logistic3A : vector<256x1xf32>
    %logistic3A_53 = arith.constant 1.000000e+00 : f32
    %logistic3A_54 = vector.broadcast %logistic3A_53 : f32 to vector<256x1xf32>
    %logistic3A_55 = arith.addf %logistic3A_54, %logistic3A_52 : vector<256x1xf32>
    %logistic3A_56 = arith.divf %logistic3A_54, %logistic3A_55 : vector<256x1xf32>
    %get3A_57 = arith.constant 0 : index
    %get3A_58 = arith.constant 0 : index
    %get3A_59 = vector.load %arg7[%get3A_57, %get3A_58] : memref<1x1024xf32, #tpu.memory_space<vmem>>, vector<1x1024xf32>
    %mul3A_60 = vector.broadcast %get3A_59 : vector<1x1024xf32> to vector<256x1024xf32>
    %mul3A_61 = arith.mulf %mul3A_41, %mul3A_60 : vector<256x1024xf32>
    %reduce_sum3A_62 = arith.constant dense<0.000000e+00> : vector<256xf32>
    %reduce_sum3A_63 = vector.multi_reduction <add>, %mul3A_61, %reduce_sum3A_62 [1] : vector<256x1024xf32> to vector<256xf32>
    %broadcast_in_dim3A_64 = vector.shape_cast %reduce_sum3A_63 : vector<256xf32> to vector<256x1xf32>
    %get3A_65 = arith.constant 1 : index
    %get3A_66 = memref.load %arg8[%get3A_65] : memref<2xf32, #tpu.memory_space<smem>>
    %add3A_67 = vector.broadcast %get3A_66 : f32 to vector<256x1xf32>
    %add3A_68 = arith.addf %broadcast_in_dim3A_64, %add3A_67 : vector<256x1xf32>
    %logistic3A_69 = arith.negf %add3A_68 : vector<256x1xf32>
    %logistic3A_70 = math.exp %logistic3A_69 : vector<256x1xf32>
    %logistic3A_71 = arith.constant 1.000000e+00 : f32
    %logistic3A_72 = vector.broadcast %logistic3A_71 : f32 to vector<256x1xf32>
    %logistic3A_73 = arith.addf %logistic3A_72, %logistic3A_70 : vector<256x1xf32>
    %logistic3A_74 = arith.divf %logistic3A_72, %logistic3A_73 : vector<256x1xf32>
    %mul3A_75 = vector.broadcast %logistic3A_56 : vector<256x1xf32> to vector<256x1024xf32>
    %mul3A_76 = arith.mulf %mul3A_75, %get3A_4 : vector<256x1024xf32>
    %mul3A_77 = vector.broadcast %logistic3A_74 : vector<256x1xf32> to vector<256x1024xf32>
    %mul3A_78 = arith.mulf %mul3A_77, %get3A_7 : vector<256x1024xf32>
    %add3A_79 = arith.addf %mul3A_76, %mul3A_78 : vector<256x1024xf32>
    %reduce_sum3A_80 = arith.constant dense<0.000000e+00> : vector<256xf32>
    %reduce_sum3A_81 = vector.multi_reduction <add>, %add3A_79, %reduce_sum3A_80 [1] : vector<256x1024xf32> to vector<256xf32>
    %broadcast_in_dim3A_82 = vector.shape_cast %reduce_sum3A_81 : vector<256xf32> to vector<256x1xf32>
    %div3A = arith.constant 1.024000e+03 : f32
    %div3A_83 = vector.broadcast %div3A : f32 to vector<256x1xf32>
    %div3A_84 = arith.divf %broadcast_in_dim3A_82, %div3A_83 : vector<256x1xf32>
    %sub3A = vector.broadcast %div3A_84 : vector<256x1xf32> to vector<256x1024xf32>
    %sub3A_85 = arith.subf %add3A_79, %sub3A : vector<256x1024xf32>
    %integer_pow3A_86 = arith.mulf %sub3A_85, %sub3A_85 : vector<256x1024xf32>
    %reduce_sum3A_87 = arith.constant dense<0.000000e+00> : vector<256xf32>
    %reduce_sum3A_88 = vector.multi_reduction <add>, %integer_pow3A_86, %reduce_sum3A_87 [1] : vector<256x1024xf32> to vector<256xf32>
    %broadcast_in_dim3A_89 = vector.shape_cast %reduce_sum3A_88 : vector<256xf32> to vector<256x1xf32>
    %div3A_90 = arith.constant 1.024000e+03 : f32
    %div3A_91 = vector.broadcast %div3A_90 : f32 to vector<256x1xf32>
    %div3A_92 = arith.divf %broadcast_in_dim3A_89, %div3A_91 : vector<256x1xf32>
    %sub3A_93 = vector.broadcast %div3A_84 : vector<256x1xf32> to vector<256x1024xf32>
    %sub3A_94 = arith.subf %add3A_79, %sub3A_93 : vector<256x1024xf32>
    %add3A_95 = arith.constant 9.99999974E-6 : f32
    %add3A_96 = vector.broadcast %add3A_95 : f32 to vector<256x1xf32>
    %add3A_97 = arith.addf %div3A_92, %add3A_96 : vector<256x1xf32>
    %rsqrt3A = math.rsqrt %add3A_97 : vector<256x1xf32>
    %mul3A_98 = vector.broadcast %rsqrt3A : vector<256x1xf32> to vector<256x1024xf32>
    %mul3A_99 = arith.mulf %sub3A_94, %mul3A_98 : vector<256x1024xf32>
    %get3A_100 = arith.constant 0 : index
    %get3A_101 = arith.constant 0 : index
    %get3A_102 = vector.load %arg11[%get3A_100, %get3A_101] : memref<1x1024xf32, #tpu.memory_space<vmem>>, vector<1x1024xf32>
    %mul3A_103 = vector.broadcast %get3A_102 : vector<1x1024xf32> to vector<256x1024xf32>
    %mul3A_104 = arith.mulf %mul3A_99, %mul3A_103 : vector<256x1024xf32>
    %get3A_105 = arith.constant 0 : index
    %get3A_106 = arith.constant 0 : index
    %get3A_107 = vector.load %arg12[%get3A_105, %get3A_106] : memref<1x1024xf32, #tpu.memory_space<vmem>>, vector<1x1024xf32>
    %add3A_108 = vector.broadcast %get3A_107 : vector<1x1024xf32> to vector<256x1024xf32>
    %add3A_109 = arith.addf %mul3A_104, %add3A_108 : vector<256x1024xf32>
    %get3A_110 = arith.constant 0 : index
    %get3A_111 = arith.constant 0 : index
    %get3A_112 = vector.load %arg9[%get3A_110, %get3A_111] : memref<1024x1024xf32, #tpu.memory_space<vmem>>, vector<1024x1024xf32>
    %dot_general3A_113 = arith.constant dense<0.000000e+00> : vector<256x1024xf32>
    %dot_general3A_114 = tpu.matmul %add3A_109, %get3A_112, %dot_general3A_113 {dimension_numbers = #tpu.dot_dimension_numbers<[1], [0], [0], [1], [0, 0, 1, 1], [], []>, transpose_lhs_hint = false} : vector<256x1024xf32>, vector<1024x1024xf32>, vector<256x1024xf32> -> vector<256x1024xf32>
    %add3A_115 = arith.addf %get3A_1, %dot_general3A_114 : vector<256x1024xf32>
    %get3A_116 = arith.constant 0 : index
    %get3A_117 = arith.constant 0 : index
    %get3A_118 = vector.load %arg10[%get3A_116, %get3A_117] : memref<1x1024xf32, #tpu.memory_space<vmem>>, vector<1x1024xf32>
    %add3A_119 = vector.broadcast %get3A_118 : vector<1x1024xf32> to vector<256x1024xf32>
    %add3A_120 = arith.addf %add3A_115, %add3A_119 : vector<256x1024xf32>
    %swap3A = arith.constant 0 : index
    %swap3A_121 = arith.constant 0 : index
    %swap3A_122 = vector.load %arg13[%swap3A, %swap3A_121] : memref<256x1024xf32, #tpu.memory_space<vmem>>, vector<256x1024xf32>
    tpu.vector_store %arg13[%swap3A, %swap3A_121], %add3A_120 {strides = array<i32>} : memref<256x1024xf32, #tpu.memory_space<vmem>>, vector<256x1024xf32>,
    return
  }
  func.func @transform_0(%arg0: i32) -> (i32, i32) {
    %c0_i32 = arith.constant 0 : i32
    %c0_i32_0 = arith.constant 0 : i32
    return %arg0, %c0_i32 : i32, i32
  }
  func.func @transform_1(%arg0: i32) -> (i32, i32) {
    %c0_i32 = arith.constant 0 : i32
    %c0_i32_0 = arith.constant 0 : i32
    return %arg0, %c0_i32 : i32, i32
  }
  func.func @transform_2(%arg0: i32) -> (i32, i32) {
    %c0_i32 = arith.constant 0 : i32
    %c0_i32_0 = arith.constant 0 : i32
    return %arg0, %c0_i32 : i32, i32
  }
  func.func @transform_3(%arg0: i32) -> (i32, i32) {
    %c0_i32 = arith.constant 0 : i32
    %c0_i32_0 = arith.constant 0 : i32
    %c0_i32_1 = arith.constant 0 : i32
    return %c0_i32, %c0_i32_0 : i32, i32
  }
  func.func @transform_4(%arg0: i32) -> (i32, i32) {
    %c0_i32 = arith.constant 0 : i32
    %c0_i32_0 = arith.constant 0 : i32
    %c0_i32_1 = arith.constant 0 : i32
    return %c0_i32, %c0_i32_0 : i32, i32
  }
  func.func @transform_5(%arg0: i32) -> (i32, i32) {
    %c0_i32 = arith.constant 0 : i32
    %c0_i32_0 = arith.constant 0 : i32
    %c0_i32_1 = arith.constant 0 : i32
    return %c0_i32, %c0_i32_0 : i32, i32
  }
  func.func @transform_6(%arg0: i32) -> (i32, i32) {
    %c0_i32 = arith.constant 0 : i32
    %c0_i32_0 = arith.constant 0 : i32
    %c0_i32_1 = arith.constant 0 : i32
    return %c0_i32, %c0_i32_0 : i32, i32
  }
  func.func @transform_7(%arg0: i32) -> i32 {
    %c0_i32 = arith.constant 0 : i32
    %c0_i32_0 = arith.constant 0 : i32
    return %c0_i32 : i32
  }
  func.func @transform_8(%arg0: i32) -> (i32, i32) {
    %c0_i32 = arith.constant 0 : i32
    %c0_i32_0 = arith.constant 0 : i32
    %c0_i32_1 = arith.constant 0 : i32
    return %c0_i32, %c0_i32_0 : i32, i32
  }
  func.func @transform_9(%arg0: i32) -> (i32, i32) {
    %c0_i32 = arith.constant 0 : i32
    %c0_i32_0 = arith.constant 0 : i32
    %c0_i32_1 = arith.constant 0 : i32
    return %c0_i32, %c0_i32_0 : i32, i32
  }
  func.func @transform_10(%arg0: i32) -> (i32, i32) {
    %c0_i32 = arith.constant 0 : i32
    %c0_i32_0 = arith.constant 0 : i32
    %c0_i32_1 = arith.constant 0 : i32
    return %c0_i32, %c0_i32_0 : i32, i32
  }
  func.func @transform_11(%arg0: i32) -> (i32, i32) {
    %c0_i32 = arith.constant 0 : i32
    %c0_i32_0 = arith.constant 0 : i32
    %c0_i32_1 = arith.constant 0 : i32
    return %c0_i32, %c0_i32_0 : i32, i32
  }
  func.func @transform_12(%arg0: i32) -> (i32, i32) {
    %c0_i32 = arith.constant 0 : i32
    %c0_i32_0 = arith.constant 0 : i32
    return %arg0, %c0_i32 : i32, i32
  }
}

</mosaic_0001>

<sc_bundles>
// kernel: kernel.11.cloned.1.call-start
scs
__scs_entry_jumppad:
0x0: {  	(pc) =	sbr.rel $0x88, $3  }
0x1: {  	(tag) =	ssettag $0x0;
	lr =	simm.s32 $0x1  }
0x2: {  	[smem:$0x3F91] =	sst lr;
	_ =	strace $0xD0000000  }
0x3: {  	_ = 	snop  }
0x4: {  	_ = 	snop  }
0x5: {  	_ = 	snop  }
0x6: {  	_ = 	snop  }
0x7: {  	_ = 	snop  }
__scs_overlays_trampoline_lowered:
0x8: {  	[smem:$0x3FA0] =	sst s0  }
0x9: {  	[smem:$0x3FA1] =	sst s1  }
0xa: {  	[smem:$0x3FA2] =	sst s2  }
0xb: {  	[smem:$0x3FA3] =	sst s3  }
0xc: {  	[smem:$0x3FA4] =	sst s4  }
0xd: {  	[smem:$0x3FA5] =	sst s5  }
0xe: {  	[smem:$0x3FA6] =	sst s6  }
0xf: {  	[smem:$0x3FA7] =	sst s7  }
0x10: {  	[smem:$0x3FA8] =	sst s8  }
0x11: {  	[smem:$0x3FA9] =	sst s9;
	s0 =	simm.s32 @!p0 $0x0  }
0x12: {  	s1 =	sld [smem:$0x3F8F];
	s0 =	simm.s32 @p0 $0x1  }
0x13: {  	[smem:$0x3FAA] =	sst s0;
	s0 =	simm.s32 @!p1 $0x0  }
0x14: {  	s2 =	sld [smem:$0x3F8E];
	s0 =	simm.s32 @p1 $0x1  }
0x15: {  	[smem:$0x3FAB] =	sst s0;
	s0 =	simm.s32 @!p2 $0x0  }
0x16: {  	s3 =	sld [smem:$0x3FDB];
	s0 =	simm.s32 @p2 $0x1  }
0x17: {  	s4 =	simm.s32 $0x1BF5;
	[smem:$0x3FAD] =	sst s0  }
0x18: {  	s0 =	sld [smem:$0x3F90];
	_ =	swait.ge [sflag:s4], $0x0  }
0x19: {  	s7 =	sld [smem:$0x3F91]  }
0x1a: {  	s8 =	sadd.s32 $0xFFFFE003, lr  }
0x1b: {  	s9 =	sadd.s32 $0xFFFFFEF7, lr;
	s5 =	simm.s32 $0xFFFFFFFF;
	p2 =	slt.u32 s8, $0xFFFFF086  }
0x1c: {  	p1 =	slt.u32 s9, $0xF7A;
	s5 =	simm.s32 @!p2 $0x0  }
0x1d: {  	s5 =	simm.s32 @p1 $0x1;
	p0 =	seq.s32 s7, s2  }
0x1e: {  	s7 =	smul.u32 @!p0 $0xF7A, s2;
	p2 =	seq.s32 @!p0 s5, $0x0  }
0x1f: {  	s9 =	smul.u32 $0xF7A, s1;
	s8 =	simm.s32 @!p0 $0x1BF5;
	p2 =	por !p2, p0  }
0x20: {  	[sflag:s8] =	ssyncset.s32 @!p0 $0xFFFFF086;
	s6 =	sadd.s32 @!p0 s3, s7;
	s7 =	simm.s32 @!p0 $0x108  }
0x21: {  	s3 =	sadd.s32 s3, s9;
	s6 =	sadd.s32 @!p0 $0x88, s6;
	s7 =	simm.s32 @p2 $0x1082  }
0x22: {  	[simem:s7], [sflag:s8] =	dma.local @!p0 [hbm:s6], $0xF7A  }
0x23: {  	s9 =	sor.u32 $0xD0000000, s2;
	s6 =	simm.s32 $0x108;
	_ =	swait.ge @!p0 [sflag:s8], $0x0  }
0x24: {  	s3 =	sadd.s32 $0x88, s3;
	s6 =	simm.s32 @!p1 $0x1082;
	[sflag:s4] =	ssyncset.s32 $0xFFFFF086  }
0x25: {  	[simem:s6], [sflag:s4] =	dma.local [hbm:s3], $0xF7A  }
0x26: {  	[smem:$0x3F91] =	sst s1;
	(tag) =	ssettag s2;
	_ =	strace s9  }
0x27: {  	s1 =	sld [smem:$0x3FA1]  }
0x28: {  	s2 =	sld [smem:$0x3FA2]  }
0x29: {  	s4 =	sld [smem:$0x3FA4]  }
0x2a: {  	p0 =	seq.s32 s5, $0x0;
	s5 =	sld [smem:$0x3FA5]  }
0x2b: {  	s6 =	sld [smem:$0x3FA6]  }
0x2c: {  	s7 =	sld [smem:$0x3FA7]  }
0x2d: {  	s3 =	simm.s32 $0x108;
	s8 =	sld [smem:$0x3FA8]  }
0x2e: {  	s3 =	simm.s32 @!p0 $0x1082;
	s9 =	sld [smem:$0x3FA9]  }
0x2f: {  	lr =	sadd.s32 s0, s3;
	s0 =	sld [smem:$0x3FA0]  }
0x30: {  	s3 =	sld [smem:$0x3FA3]  }
0x31: {  	[smem:$0x3FAC] =	sst s10  }
0x32: {  	s10 =	sld [smem:$0x3FAA];
	_ =	sdelay $0x3  }
0x33: {  	p0 =	seq.s32 s10, $0x1;
	s10 =	sld [smem:$0x3FAC];
	_ =	sdelay $0x3  }
0x34: {  	[smem:$0x3FAC] =	sst s10  }
0x35: {  	s10 =	sld [smem:$0x3FAB];
	_ =	sdelay $0x3  }
0x36: {  	p1 =	seq.s32 s10, $0x1;
	s10 =	sld [smem:$0x3FAC];
	_ =	sdelay $0x3  }
0x37: {  	[smem:$0x3FAC] =	sst s10  }
0x38: {  	s10 =	sld [smem:$0x3FAD]  }
0x39: {  	_ = 	snop;
	(pc) =	sbr.ind lr, $3  }
0x3a: {  	_ = 	snop  }
0x3b: {  	_ = 	snop  }
0x3c: {  	p2 =	seq.s32 s10, $0x1;
	s10 =	sld [smem:$0x3FAC]  }
0x3d: {  	_ =	shalt  }
0x3e: {  	_ =	shalt  }
0x3f: {  	_ =	shalt  }
0x40: {  	_ =	shalt  }
0x41: {  	_ =	shalt  }
0x42: {  	_ =	shalt  }
0x43: {  	_ =	shalt  }
0x44: {  	_ =	shalt  }
0x45: {  	_ =	shalt  }
0x46: {  	_ =	shalt  }
0x47: {  	_ =	shalt  }
0x48: {  	_ =	shalt  }
0x49: {  	_ =	shalt  }
0x4a: {  	_ =	shalt  }
0x4b: {  	_ =	shalt  }
0x4c: {  	_ =	shalt  }
0x4d: {  	_ =	shalt  }
0x4e: {  	_ =	shalt  }
0x4f: {  	_ =	shalt  }
0x50: {  	_ =	shalt  }
0x51: {  	_ =	shalt  }
0x52: {  	_ =	shalt  }
0x53: {  	_ =	shalt  }
0x54: {  	_ =	shalt  }
0x55: {  	_ =	shalt  }
0x56: {  	_ =	shalt  }
0x57: {  	_ =	shalt  }
0x58: {  	_ =	shalt  }
0x59: {  	_ =	shalt  }
0x5a: {  	_ =	shalt  }
0x5b: {  	_ =	shalt  }
0x5c: {  	_ =	shalt  }
0x5d: {  	_ =	shalt  }
0x5e: {  	_ =	shalt  }
0x5f: {  	_ =	shalt  }
0x60: {  	_ =	shalt  }
0x61: {  	_ =	shalt  }
0x62: {  	_ =	shalt  }
0x63: {  	_ =	shalt  }
0x64: {  	_ =	shalt  }
0x65: {  	_ =	shalt  }
0x66: {  	_ =	shalt  }
0x67: {  	_ =	shalt  }
0x68: {  	_ =	shalt  }
0x69: {  	_ =	shalt  }
0x6a: {  	_ =	shalt  }
0x6b: {  	_ =	shalt  }
0x6c: {  	_ =	shalt  }
0x6d: {  	_ =	shalt  }
0x6e: {  	_ =	shalt  }
0x6f: {  	_ =	shalt  }
0x70: {  	_ =	shalt  }
0x71: {  	_ =	shalt  }
0x72: {  	_ =	shalt  }
0x73: {  	_ =	shalt  }
0x74: {  	_ =	shalt  }
0x75: {  	_ =	shalt  }
0x76: {  	_ =	shalt  }
0x77: {  	_ =	shalt  }
0x78: {  	_ =	shalt  }
0x79: {  	_ =	shalt  }
0x7a: {  	_ =	shalt  }
0x7b: {  	_ =	shalt  }
0x7c: {  	_ =	shalt  }
0x7d: {  	_ =	shalt  }
0x7e: {  	_ =	shalt  }
0x7f: {  	_ =	shalt  }
0x80: {  	_ =	shalt  }
0x81: {  	_ =	shalt  }
0x82: {  	_ =	shalt  }
0x83: {  	_ =	shalt  }
0x84: {  	_ =	shalt  }
0x85: {  	_ =	shalt  }
0x86: {  	_ =	shalt  }
0x87: {  	_ =	shalt  }
.Lfunc_end0:
.L_simem_size_0:
called_computation.1_lowered:
.L_overlay_start_0:
0x88: {  	s2 =	sld [smem:$0x3FD9]  }
0x89: {  	s3 =	sld [smem:$0x3FFE];
	_ =	sdelay $0x1  }
0x8a: {  	s1 =	srdreg.scid  }
0x8b: {  	s0 =	sand.u32 $0x1, s1  }
0x8c: {  	s17 =	sshll.u32 s0, $0xA;
	s2 =	sadd.s32 s3, s2  }
0x8d: {  	s2 =	sadd.s32 s2, s17  }
0x8e: {  	[smem:$0x3FB8] =	sst s2  }
0x8f: {  	_ = 	snop  }
0x90: {  	s2 =	sld [smem:$0x3FBA]  }
0x91: {  	s18 =	sld [smem:$0x3FD0];
	(tm) =	ssettm $0x1  }
0x92: {  	s4 =	sld [smem:$0x3FFB];
	_ =	sdelay $0x3  }
0x93: {  	_ =	strace s4  }
0x94: {  	s4 =	sld [smem:$0x3FFC];
	_ =	sdelay $0x3  }
0x95: {  	_ =	strace s4  }
0x96: {  	s4 =	sld [smem:$0x3FFD];
	_ =	sdelay $0x3  }
0x97: {  	_ =	strace s4  }
0x98: {  	_ =	strace $0x8FFFFFFF  }
0x99: {  	s19 =	sld [smem:$0x3FDB];
	_ =	sdelay $0x1  }
0x9a: {  	s5 =	simm.s32 $_scs_section_size  }
0x9b: {  	s6 =	simm.s32 $_size__tile_overlayer_lowered;
	s7 =	simm.s32 $_tile_overlayer_lowered  }
0x9c: {  	s22 =	simm.s32 $0x1BFF;
	s21 =	sshll.u32 s7, $0x1;
	s4 =	sadd.s32 s5, s19  }
0x9d: {  	s8 =	simm.s32 $0x0;
	s20 =	sshll.u32 s6, $0x1;
	s6 =	sadd.s32 s21, s4  }
0x9e: {  	[timem:s8], [sflag:s22] =	dma.local [hbm:s6], s20  }
0x9f: {  	_ =	swait.ge [sflag:s22], s20  }
0xa0: {  	s5 =	ssub.s32 $0x0, s20;
	[sflag:s22] =	ssyncset.done $0x0  }
0xa1: {  	[sflag:s22] =	ssyncadd.s32 s5;
	_ =	sdelay $0x1  }
0xa2: {  	s23 =	simm.s32 $0x1B8B  }
0xa3: {  	_ =	swait.ge [sflag:s23], $0x1  }
0xa4: {  	[sflag:s23] =	ssyncset.done $0x0  }
0xa5: {  	s25 =	simm.s32 $0x1B8E;
	s24 =	sld [smem:$0x3FFE];
	[sflag:s23] =	ssyncadd.s32 $0xFFFFFFFF  }
0xa6: {  	s26 =	simm.s32 $execute0_lowered;
	[smem:$0x3FD2] =	sst s25  }
0xa7: {  	s6 =	sshll.u32 s26, $0x1;
	_ =	strace $0x80000046;
	[dreg:$0x1] =	wrdreg $0xFFFFFFFF  }
0xa8: {  	s28 =	simm.s32 $_size_execute0_lowered;
	s4 =	sadd.s32 s4, s6;
	[dreg:$0x0] =	wrdreg $0x0  }
0xa9: {  	s6 =	sshll.u32 s28, $0x1;
	[dreg:$0x2] =	wrdreg s4  }
0xaa: {  	[dreg:$0x3] =	wrdreg s6  }
0xab: {  	[dreg:$0x4] =	wrdreg $0xC0  }
0xac: {  	_ =	task [dreg:s8], $0x5FFFF  }
0xad: {  	[dreg:$0x1] =	wrdreg $0xFFFFFFFF  }
0xae: {  	[dreg:$0x0] =	wrdreg $0x60  }
0xaf: {  	[dreg:$0x2] =	wrdreg s18  }
0xb0: {  	[dreg:$0x3] =	wrdreg s2  }
0xb1: {  	[dreg:$0x4] =	wrdreg s24  }
0xb2: {  	[dreg:$0x5] =	wrdreg $0xA  }
0xb3: {  	_ =	task.clear_ibuf [dreg:s8], $0x6FFFF;
	_ =	strace $0x90000046  }
0xb4: {  	s29 =	simm.s32 $0xA;
	_ =	strace $0x80000048  }
0xb5: {  	_ =	swait.ge [sflag:s29], $0x1  }
0xb6: {  	[sflag:s29] =	ssyncadd.s32 $0xFFFFFFFF  }
0xb7: {  	_ =	strace $0x90000048  }
0xb8: {  	_ =	sfence  }
0xb9: {  	s30 =	sld [smem:$0x0];
	_ =	sdelay $0x2  }
0xba: {  	s31 =	sshll.u32 s1, $0xD;
	s1 =	sshrl.u32 s1, $0x2  }
0xbb: {  	s3 =	sand.u32 $0x4000, s31;
	s1 =	sadd.s32 s1, s30  }
0xbc: {  	s0 =	sor.u32 s3, s0;
	s1 =	sshll.u32 s1, $0x11  }
0xbd: {  	s0 =	sor.u32 s1, s0  }
0xbe: {  	s0 =	sadd.s32 $0x8F2B, s0  }
0xbf: {  	[sflag:s0] =	ssyncadd.remote.s32 $0x1  }
0xc0: {  	_ =	sfence.sel $0xFFFF  }
0xc1: {  	[dreg:$0x0] =	wrdreg $0xFFFFFFFF;
	(pc) =	sbr.abs _section_cstart, $3  }
0xc2: {  	[dreg:$0x1] =	wrdreg $0xFFFFFFFF  }
0xc3: {  	_ =	task.clear_ibuf [dreg:s8], $0x2FFFF;
	_ =	strace $0x9FFFFFFF  }
0xc4: {  	(tm) =	ssettm $0x7FFFFFFF  }
0xc5: {  	_ =	shalt  }
tec
execute0_lowered:
.L_overlay_start_1:
0x0: {  	(tag) =	ssettag $0x1  }
0x1: {  	s7 =	rddreg [dreg:$0x0]  }
0x2: {  	s1 =	rddreg [dreg:$0x1]  }
0x3: {  	s5 =	rddreg [dreg:$0x2]  }
0x4: {  	s0 =	rddreg [dreg:$0x3]  }
0x5: {  	s3 =	simm.s32 $0x0;
	s4 =	srdreg.scid;
	s2 =	stileid.u32  }
0x6: {  	s12 =	simm.s32 $0x800;
	s13 =	simm.s32 $0x10;
	s14 =	simm.s32 $0x400  }
0x7: {  	s15 =	simm.s32 $0x0;
	[smem:$0x7FF] =	sst s3;
	s6 =	sand.u32 $0x1, s4  }
0x8: {  	s4 =	sadd.s32 $0x2600, s5;
	s9 =	sshll.u32 s2, $0x1;
	s10 =	sadd.s32 $0x4600, s5  }
0x9: {  	_ =	strace $0x80000047;
	s8 =	ssub.s32 $0x2, s6;
	s6 =	sor.u32 s6, s9  }
0xa: {  	s28 =	sshrl.u32 s8, $0x1;
	s30 =	sshll.u32 s6, $0xD;
	s31 =	sshll.u32 s6, $0x5  }
0xb: {  	s6 =	sshll.u32 s6, $0x2;
	s29 =	ssub.s32 s8, s28;
	s8 =	sor.u32 $0x10, s31  }
0xc: {  	s5 =	sadd.s32 s7, s30;
	s6 =	sadd.s32 s10, s6;
	s11 =	sshll.u32 s8, $0x8  }
0xd: {  	s8 =	sshrl.u32 s8, $0x3;
	s9 =	smax.u32 s29, $0x1;
	s7 =	sadd.s32 s7, s11  }
0xe: {  	s8 =	sadd.s32 s10, s8;
	s10 =	simm.s32 $0x1;
	s11 =	simm.s32 $0x8800  }
.LBB2_1:
0xf: {  	[tilespmem:s3], [sflag:$0x1] =	stream.linear.gather [hbm4b:s1+s3], $0x800, $0x38;
	[tilespmem:$0x18800] =	vst v63  }
0x10: {  	_ =	swait.ge [sflag:s10], $0x800  }
0x11: {  	[sflag:s10] =	ssyncset.done $0x0  }
0x12: {  	[sflag:s10] =	ssyncadd.s32 $0xFFFFF800  }
0x13: {  	[tilespmem:s11], [sflag:$0x1] =	stream.linear.gather [hbm4b:s4+s3], $0x10000, $0x38;
	[tilespmem:$0x18800] =	vst v63  }
0x14: {  	_ =	swait.ge [sflag:s10], $0x10000  }
0x15: {  	[sflag:s10] =	ssyncset.done $0x0  }
0x16: {  	[sflag:s10] =	ssyncadd.s32 $0xFFFF0000  }
0x17: {  	[tilespmem:s12], [sflag:$0x1] =	stream.linear.gather [hbm4b:s5+s3], $0x8000, $0x38;
	[tilespmem:$0x18800] =	vst v63  }
0x18: {  	_ =	swait.ge [sflag:s10], $0x8000  }
0x19: {  	[sflag:s10] =	ssyncset.done $0x0  }
0x1a: {  	s16 =	simm.s32 $0x0;
	[sflag:s10] =	ssyncadd.s32 $0xFFFF8000  }
0x1b: {  	v0 =	vld [tilespmem:s16+$0x30]  }
0x1c: {  	v1 =	vld [tilespmem:s16+$0x0]  }
0x1d: {  	v2 =	vld [tilespmem:s16+$0x10]  }
0x1e: {  	v4 =	vld [tilespmem:s16+$0x20];
	_ =	sdelay $0x1  }
0x1f: {  	v5 =	vld [tilespmem:s16+$0x830];
	v3 =	vshll.u32 v0, $0x4  }
0x20: {  	v6 =	vld [tilespmem:s16+$0x800];
	v0 =	vshll.u32 v1, $0x4  }
0x21: {  	v7 =	vld [tilespmem:s16+$0x810];
	v1 =	vshll.u32 v2, $0x4  }
0x22: {  	v8 =	vld [tilespmem:s16+$0x820];
	v2 =	vshll.u32 v4, $0x4;
	_ =	sdelay $0x1  }
0x23: {  	[tilespmem:v3+s11+$0x0] =	vst.idx.add.f32.msk $0xffff, v5  }
0x24: {  	[tilespmem:v0+s11+$0x0] =	vst.idx.add.f32.msk $0xffff, v6  }
0x25: {  	[tilespmem:v1+s11+$0x0] =	vst.idx.add.f32.msk $0xffff, v7  }
0x26: {  	[tilespmem:v2+s11+$0x0] =	vst.idx.add.f32.msk $0xffff, v8  }
0x27: {  	v5 =	vor.u32 $0x1, v3;
	v4 =	vld [tilespmem:s16+$0x1030]  }
0x28: {  	v6 =	vor.u32 $0x1, v0;
	v7 =	vld [tilespmem:s16+$0x1000]  }
0x29: {  	v9 =	vor.u32 $0x1, v1;
	v8 =	vld [tilespmem:s16+$0x1010];
	_ =	sdelay $0x1  }
0x2a: {  	v10 =	vld [tilespmem:s16+$0x1020]  }
0x2b: {  	[tilespmem:v5+s11+$0x0] =	vst.idx.add.f32.msk $0xffff, v4  }
0x2c: {  	v11 =	vor.u32 $0x1, v2;
	[tilespmem:v6+s11+$0x0] =	vst.idx.add.f32.msk $0xffff, v7  }
0x2d: {  	[tilespmem:v9+s11+$0x0] =	vst.idx.add.f32.msk $0xffff, v8  }
0x2e: {  	v5 =	vor.u32 $0x2, v3;
	v4 =	vld [tilespmem:s16+$0x1830]  }
0x2f: {  	v7 =	vor.u32 $0x2, v0;
	v6 =	vld [tilespmem:s16+$0x1800]  }
0x30: {  	v8 =	vor.u32 $0x2, v1;
	v9 =	vld [tilespmem:s16+$0x1810]  }
0x31: {  	[tilespmem:v11+s11+$0x0] =	vst.idx.add.f32.msk $0xffff, v10  }
0x32: {  	v11 =	vld [tilespmem:s16+$0x1820]  }
0x33: {  	[tilespmem:v5+s11+$0x0] =	vst.idx.add.f32.msk $0xffff, v4  }
0x34: {  	v50 =	vor.u32 $0x2, v2;
	[tilespmem:v7+s11+$0x0] =	vst.idx.add.f32.msk $0xffff, v6  }
0x35: {  	[tilespmem:v8+s11+$0x0] =	vst.idx.add.f32.msk $0xffff, v9  }
0x36: {  	v5 =	vor.u32 $0x3, v3;
	v4 =	vld [tilespmem:s16+$0x2030]  }
0x37: {  	v6 =	vor.u32 $0x3, v0;
	v7 =	vld [tilespmem:s16+$0x2000]  }
0x38: {  	v51 =	vor.u32 $0x3, v1;
	v8 =	vld [tilespmem:s16+$0x2010]  }
0x39: {  	[tilespmem:v50+s11+$0x0] =	vst.idx.add.f32.msk $0xffff, v11  }
0x3a: {  	v52 =	vor.u32 $0x3, v2;
	v10 =	vld [tilespmem:s16+$0x2020]  }
0x3b: {  	[tilespmem:v5+s11+$0x0] =	vst.idx.add.f32.msk $0xffff, v4  }
0x3c: {  	[tilespmem:v6+s11+$0x0] =	vst.idx.add.f32.msk $0xffff, v7  }
0x3d: {  	[tilespmem:v51+s11+$0x0] =	vst.idx.add.f32.msk $0xffff, v8  }
0x3e: {  	v5 =	vor.u32 $0x4, v3;
	v4 =	vld [tilespmem:s16+$0x2830]  }
0x3f: {  	[tilespmem:v52+s11+$0x0] =	vst.idx.add.f32.msk $0xffff, v10  }
0x40: {  	v7 =	vor.u32 $0x4, v0;
	v6 =	vld [tilespmem:s16+$0x2800]  }
0x41: {  	v8 =	vor.u32 $0x4, v1;
	v9 =	vld [tilespmem:s16+$0x2810]  }
0x42: {  	v11 =	vld [tilespmem:s16+$0x2820]  }
0x43: {  	[tilespmem:v5+s11+$0x0] =	vst.idx.add.f32.msk $0xffff, v4  }
0x44: {  	v5 =	vor.u32 $0x5, v3;
	v4 =	vld [tilespmem:s16+$0x3030]  }
0x45: {  	[tilespmem:v7+s11+$0x0] =	vst.idx.add.f32.msk $0xffff, v6  }
0x46: {  	v53 =	vor.u32 $0x4, v2;
	[tilespmem:v8+s11+$0x0] =	vst.idx.add.f32.msk $0xffff, v9  }
0x47: {  	v7 =	vld [tilespmem:s16+$0x3000]  }
0x48: {  	v6 =	vor.u32 $0x5, v0;
	v8 =	vld [tilespmem:s16+$0x3010]  }
0x49: {  	v54 =	vor.u32 $0x5, v1;
	[tilespmem:v5+s11+$0x0] =	vst.idx.add.f32.msk $0xffff, v4  }
0x4a: {  	v5 =	vor.u32 $0x6, v3;
	v4 =	vld [tilespmem:s16+$0x3830]  }
0x4b: {  	[tilespmem:v53+s11+$0x0] =	vst.idx.add.f32.msk $0xffff, v11  }
0x4c: {  	v55 =	vor.u32 $0x5, v2;
	v10 =	vld [tilespmem:s16+$0x3020]  }
0x4d: {  	[tilespmem:v6+s11+$0x0] =	vst.idx.add.f32.msk $0xffff, v7  }
0x4e: {  	[tilespmem:v54+s11+$0x0] =	vst.idx.add.f32.msk $0xffff, v8  }
0x4f: {  	[tilespmem:v5+s11+$0x0] =	vst.idx.add.f32.msk $0xffff, v4  }
0x50: {  	v5 =	vor.u32 $0x7, v3;
	v4 =	vld [tilespmem:s16+$0x4030]  }
0x51: {  	[tilespmem:v55+s11+$0x0] =	vst.idx.add.f32.msk $0xffff, v10  }
0x52: {  	v7 =	vor.u32 $0x6, v0;
	v6 =	vld [tilespmem:s16+$0x3800]  }
0x53: {  	v8 =	vor.u32 $0x6, v1;
	v9 =	vld [tilespmem:s16+$0x3810]  }
0x54: {  	v11 =	vld [tilespmem:s16+$0x3820]  }
0x55: {  	[tilespmem:v5+s11+$0x0] =	vst.idx.add.f32.msk $0xffff, v4  }
0x56: {  	v5 =	vor.u32 $0x8, v3;
	v4 =	vld [tilespmem:s16+$0x4830]  }
0x57: {  	[tilespmem:v7+s11+$0x0] =	vst.idx.add.f32.msk $0xffff, v6  }
0x58: {  	v56 =	vor.u32 $0x6, v2;
	[tilespmem:v8+s11+$0x0] =	vst.idx.add.f32.msk $0xffff, v9  }
0x59: {  	v7 =	vld [tilespmem:s16+$0x4000]  }
0x5a: {  	v6 =	vor.u32 $0x7, v0;
	v8 =	vld [tilespmem:s16+$0x4010]  }
0x5b: {  	v57 =	vor.u32 $0x7, v1;
	[tilespmem:v5+s11+$0x0] =	vst.idx.add.f32.msk $0xffff, v4  }
0x5c: {  	v5 =	vor.u32 $0x9, v3;
	v4 =	vld [tilespmem:s16+$0x5030]  }
0x5d: {  	[tilespmem:v56+s11+$0x0] =	vst.idx.add.f32.msk $0xffff, v11  }
0x5e: {  	v58 =	vor.u32 $0x7, v2;
	v10 =	vld [tilespmem:s16+$0x4020]  }
0x5f: {  	[tilespmem:v6+s11+$0x0] =	vst.idx.add.f32.msk $0xffff, v7  }
0x60: {  	[tilespmem:v57+s11+$0x0] =	vst.idx.add.f32.msk $0xffff, v8  }
0x61: {  	[tilespmem:v5+s11+$0x0] =	vst.idx.add.f32.msk $0xffff, v4  }
0x62: {  	v5 =	vor.u32 $0xA, v3;
	v4 =	vld [tilespmem:s16+$0x5830]  }
0x63: {  	[tilespmem:v58+s11+$0x0] =	vst.idx.add.f32.msk $0xffff, v10  }
0x64: {  	v7 =	vor.u32 $0x8, v0;
	v6 =	vld [tilespmem:s16+$0x4800]  }
0x65: {  	v8 =	vor.u32 $0x8, v1;
	v9 =	vld [tilespmem:s16+$0x4810]  }
0x66: {  	v10 =	vld [tilespmem:s16+$0x4820]  }
0x67: {  	[tilespmem:v5+s11+$0x0] =	vst.idx.add.f32.msk $0xffff, v4  }
0x68: {  	v5 =	vor.u32 $0xB, v3;
	v4 =	vld [tilespmem:s16+$0x6030]  }
0x69: {  	[tilespmem:v7+s11+$0x0] =	vst.idx.add.f32.msk $0xffff, v6  }
0x6a: {  	v59 =	vor.u32 $0x8, v2;
	[tilespmem:v8+s11+$0x0] =	vst.idx.add.f32.msk $0xffff, v9  }
0x6b: {  	v7 =	vld [tilespmem:s16+$0x5000]  }
0x6c: {  	v6 =	vor.u32 $0x9, v0;
	v9 =	vld [tilespmem:s16+$0x5010]  }
0x6d: {  	v8 =	vor.u32 $0x9, v1;
	[tilespmem:v5+s11+$0x0] =	vst.idx.add.f32.msk $0xffff, v4  }
0x6e: {  	v5 =	vor.u32 $0xC, v3;
	v4 =	vld [tilespmem:s16+$0x6830]  }
0x6f: {  	[tilespmem:v59+s11+$0x0] =	vst.idx.add.f32.msk $0xffff, v10  }
0x70: {  	v60 =	vor.u32 $0x9, v2;
	v11 =	vld [tilespmem:s16+$0x5020]  }
0x71: {  	[tilespmem:v6+s11+$0x0] =	vst.idx.add.f32.msk $0xffff, v7  }
0x72: {  	[tilespmem:v8+s11+$0x0] =	vst.idx.add.f32.msk $0xffff, v9  }
0x73: {  	[tilespmem:v5+s11+$0x0] =	vst.idx.add.f32.msk $0xffff, v4  }
0x74: {  	v5 =	vor.u32 $0xD, v3;
	v4 =	vld [tilespmem:s16+$0x7030]  }
0x75: {  	[tilespmem:v60+s11+$0x0] =	vst.idx.add.f32.msk $0xffff, v11  }
0x76: {  	v6 =	vor.u32 $0xA, v1;
	v7 =	vld [tilespmem:s16+$0x5810]  }
0x77: {  	v8 =	vor.u32 $0xA, v2;
	v61 =	vld [tilespmem:s16+$0x5820];
	_ =	sdelay $0x1  }
0x78: {  	[tilespmem:v5+s11+$0x0] =	vst.idx.add.f32.msk $0xffff, v4  }
0x79: {  	v4 =	vld [tilespmem:s16+$0x5800];
	v5 =	vor.u32 $0xA, v0  }
0x7a: {  	[tilespmem:v6+s11+$0x0] =	vst.idx.add.f32.msk $0xffff, v7  }
0x7b: {  	[tilespmem:v8+s11+$0x0] =	vst.idx.add.f32.msk $0xffff, v61  }
0x7c: {  	v6 =	vor.u32 $0xB, v1;
	v7 =	vld [tilespmem:s16+$0x6010]  }
0x7d: {  	v62 =	vld [tilespmem:s16+$0x7830]  }
0x7e: {  	[tilespmem:v5+s11+$0x0] =	vst.idx.add.f32.msk $0xffff, v4;
	v4 =	vor.u32 $0xE, v3  }
0x7f: {  	v63 =	vor.u32 $0xB, v0;
	v5 =	vld [tilespmem:s16+$0x6000]  }
0x80: {  	v9 =	vld [tilespmem:s16+$0x6020]  }
0x81: {  	v8 =	vor.u32 $0xB, v2;
	[tilespmem:v6+s11+$0x0] =	vst.idx.add.f32.msk $0xffff, v7  }
0x82: {  	v7 =	vld [tilespmem:s16+$0x6810]  }
0x83: {  	v6 =	vor.u32 $0xC, v1;
	[tilespmem:v4+s11+$0x0] =	vst.idx.add.f32.msk $0xffff, v62  }
0x84: {  	[tilespmem:v63+s11+$0x0] =	vst.idx.add.f32.msk $0xffff, v5  }
0x85: {  	v5 =	vor.u32 $0xC, v0;
	v4 =	vld [tilespmem:s16+$0x6800]  }
0x86: {  	[tilespmem:v8+s11+$0x0] =	vst.idx.add.f32.msk $0xffff, v9  }
0x87: {  	v8 =	vor.u32 $0xC, v2;
	v9 =	vld [tilespmem:s16+$0x6820]  }
0x88: {  	[tilespmem:v6+s11+$0x0] =	vst.idx.add.f32.msk $0xffff, v7  }
0x89: {  	v10 =	vld [tilespmem:s16+$0x8030]  }
0x8a: {  	v3 =	vor.u32 $0xF, v3;
	[tilespmem:v5+s11+$0x0] =	vst.idx.add.f32.msk $0xffff, v4  }
0x8b: {  	v5 =	vor.u32 $0xD, v0;
	v4 =	vld [tilespmem:s16+$0x7000]  }
0x8c: {  	[tilespmem:v8+s11+$0x0] =	vst.idx.add.f32.msk $0xffff, v9  }
0x8d: {  	v6 =	vor.u32 $0xD, v1;
	v7 =	vld [tilespmem:s16+$0x7010]  }
0x8e: {  	v9 =	vld [tilespmem:s16+$0x7020]  }
0x8f: {  	v8 =	vor.u32 $0xD, v2;
	[tilespmem:v3+s11+$0x0] =	vst.idx.add.f32.msk $0xffff, v10  }
0x90: {  	[tilespmem:v5+s11+$0x0] =	vst.idx.add.f32.msk $0xffff, v4  }
0x91: {  	v3 =	vor.u32 $0xE, v0;
	v5 =	vld [tilespmem:s16+$0x7800]  }
0x92: {  	[tilespmem:v6+s11+$0x0] =	vst.idx.add.f32.msk $0xffff, v7  }
0x93: {  	v6 =	vor.u32 $0xE, v1;
	v7 =	vld [tilespmem:s16+$0x7810]  }
0x94: {  	[tilespmem:v8+s11+$0x0] =	vst.idx.add.f32.msk $0xffff, v9  }
0x95: {  	v4 =	vld [tilespmem:s16+$0x7820]  }
0x96: {  	v1 =	vor.u32 $0xF, v1;
	[tilespmem:v3+s11+$0x0] =	vst.idx.add.f32.msk $0xffff, v5  }
0x97: {  	s17 =	simm.s32 $0x0;
	s18 =	simm.s32 $0x100;
	v0 =	vor.u32 $0xF, v0;
	v5 =	vor.u32 $0xE, v2;
	v2 =	vor.u32 $0xF, v2;
	v3 =	vld [tilespmem:s16+$0x8000]  }
.LBB2_2:
0x98: {  	s19 =	sshra.s32 s18, $0x2;
	s17 =	sadd.s32 $0x4, s17;
	[tilespmem:v6+s11+$0x0] =	vst.idx.add.f32.msk $0xffff, v7  }
0x99: {  	v6 =	vld [tilespmem:s19+$0x30];
	p0 =	slt.u32 s17, $0x7C  }
0x9a: {  	v8 =	vld [tilespmem:s19+$0x0]  }
0x9b: {  	v9 =	vld [tilespmem:s19+$0x10]  }
0x9c: {  	v10 =	vld [tilespmem:s19+$0x20]  }
0x9d: {  	v11 =	vld [tilespmem:s19+$0x800]  }
0x9e: {  	v12 =	vld [tilespmem:s19+$0x830];
	v7 =	vshll.u32 v6, $0x4  }
0x9f: {  	v14 =	vshll.u32 v8, $0x4;
	v6 =	vld [tilespmem:s19+$0x810]  }
0xa0: {  	v8 =	vor.u32 $0x1, v14;
	v38 =	vor.u32 $0x2, v14;
	v9 =	vshll.u32 v9, $0x4;
	v13 =	vld [tilespmem:s19+$0x820]  }
0xa1: {  	v39 =	vor.u32 $0x1, v9;
	v40 =	vor.u32 $0x2, v9;
	v41 =	vshll.u32 v10, $0x4;
	[tilespmem:v5+s11+$0x0] =	vst.idx.add.f32.msk $0xffff, v4  }
0xa2: {  	v42 =	vor.u32 $0x3, v14;
	v43 =	vor.u32 $0x1, v41;
	v44 =	vor.u32 $0x2, v41;
	v4 =	vld [tilespmem:s16+$0x8010]  }
0xa3: {  	v45 =	vor.u32 $0x4, v14;
	v46 =	vor.u32 $0x3, v9;
	v47 =	vor.u32 $0x3, v41;
	[tilespmem:v7+s11+$0x0] =	vst.idx.add.f32.msk $0xffff, v12  }
0xa4: {  	v48 =	vor.u32 $0x4, v9;
	v10 =	vor.u32 $0x1, v7;
	v49 =	vor.u32 $0x4, v41;
	v5 =	vld [tilespmem:s19+$0x1030]  }
0xa5: {  	v50 =	vor.u32 $0x5, v14;
	v37 =	vor.u32 $0x5, v9;
	v36 =	vor.u32 $0x5, v41;
	[tilespmem:v14+s11+$0x0] =	vst.idx.add.f32.msk $0xffff, v11  }
0xa6: {  	v34 =	vor.u32 $0x6, v14;
	v35 =	vor.u32 $0x6, v9;
	v33 =	vor.u32 $0x6, v41;
	[tilespmem:v9+s11+$0x0] =	vst.idx.add.f32.msk $0xffff, v6  }
0xa7: {  	v32 =	vor.u32 $0x7, v14;
	v30 =	vor.u32 $0x7, v9;
	v31 =	vor.u32 $0x7, v41;
	[tilespmem:v41+s11+$0x0] =	vst.idx.add.f32.msk $0xffff, v13  }
0xa8: {  	v29 =	vor.u32 $0x8, v14;
	v28 =	vor.u32 $0x8, v9;
	v27 =	vor.u32 $0x8, v41;
	v6 =	vld [tilespmem:s19+$0x1000]  }
0xa9: {  	v26 =	vor.u32 $0x9, v14;
	v25 =	vor.u32 $0x9, v9;
	v24 =	vor.u32 $0x9, v41;
	[tilespmem:v10+s11+$0x0] =	vst.idx.add.f32.msk $0xffff, v5  }
0xaa: {  	v52 =	vor.u32 $0x2, v7;
	v22 =	vor.u32 $0xA, v14;
	v21 =	vor.u32 $0xA, v9;
	v51 =	vld [tilespmem:s19+$0x1830]  }
0xab: {  	v19 =	vor.u32 $0xB, v14;
	v17 =	vor.u32 $0xB, v9;
	v23 =	vor.u32 $0xA, v41;
	v53 =	vld [tilespmem:s19+$0x1010]  }
0xac: {  	v16 =	vor.u32 $0xC, v14;
	v18 =	vor.u32 $0xB, v41;
	v13 =	vor.u32 $0xC, v9;
	v54 =	vld [tilespmem:s19+$0x1020]  }
0xad: {  	v15 =	vor.u32 $0xC, v41;
	v12 =	vor.u32 $0xD, v14;
	v10 =	vor.u32 $0xD, v9;
	[tilespmem:v8+s11+$0x0] =	vst.idx.add.f32.msk $0xffff, v6  }
0xae: {  	v11 =	vor.u32 $0xD, v41;
	v8 =	vor.u32 $0xE, v14;
	v6 =	vor.u32 $0xE, v9;
	v55 =	vld [tilespmem:s19+$0x1800]  }
0xaf: {  	v20 =	vor.u32 $0xF, v14;
	v5 =	vor.u32 $0xE, v41;
	v14 =	vor.u32 $0xF, v9;
	[tilespmem:v52+s11+$0x0] =	vst.idx.add.f32.msk $0xffff, v51  }
0xb0: {  	v9 =	vor.u32 $0xF, v41;
	v51 =	vor.u32 $0x3, v7;
	v41 =	vld [tilespmem:s19+$0x2030]  }
0xb1: {  	[tilespmem:v39+s11+$0x0] =	vst.idx.add.f32.msk $0xffff, v53  }
0xb2: {  	[tilespmem:v43+s11+$0x0] =	vst.idx.add.f32.msk $0xffff, v54  }
0xb3: {  	v39 =	vld [tilespmem:s19+$0x1810]  }
0xb4: {  	v43 =	vld [tilespmem:s19+$0x1820]  }
0xb5: {  	[tilespmem:v51+s11+$0x0] =	vst.idx.add.f32.msk $0xffff, v41  }
0xb6: {  	v51 =	vor.u32 $0x4, v7;
	v41 =	vld [tilespmem:s19+$0x2830]  }
0xb7: {  	[tilespmem:v38+s11+$0x0] =	vst.idx.add.f32.msk $0xffff, v55  }
0xb8: {  	[tilespmem:v40+s11+$0x0] =	vst.idx.add.f32.msk $0xffff, v39  }
0xb9: {  	[tilespmem:v44+s11+$0x0] =	vst.idx.add.f32.msk $0xffff, v43  }
0xba: {  	v38 =	vld [tilespmem:s19+$0x2000]  }
0xbb: {  	[tilespmem:v51+s11+$0x0] =	vst.idx.add.f32.msk $0xffff, v41  }
0xbc: {  	v40 =	vor.u32 $0x5, v7;
	v39 =	vld [tilespmem:s19+$0x3030]  }
0xbd: {  	v41 =	vld [tilespmem:s19+$0x2010]  }
0xbe: {  	v43 =	vld [tilespmem:s19+$0x2020]  }
0xbf: {  	[tilespmem:v42+s11+$0x0] =	vst.idx.add.f32.msk $0xffff, v38  }
0xc0: {  	v38 =	vld [tilespmem:s19+$0x2800]  }
0xc1: {  	[tilespmem:v40+s11+$0x0] =	vst.idx.add.f32.msk $0xffff, v39  }
0xc2: {  	v40 =	vor.u32 $0x6, v7;
	v39 =	vld [tilespmem:s19+$0x3830]  }
0xc3: {  	[tilespmem:v46+s11+$0x0] =	vst.idx.add.f32.msk $0xffff, v41  }
0xc4: {  	[tilespmem:v47+s11+$0x0] =	vst.idx.add.f32.msk $0xffff, v43  }
0xc5: {  	v41 =	vld [tilespmem:s19+$0x2810]  }
0xc6: {  	v42 =	vld [tilespmem:s19+$0x2820]  }
0xc7: {  	[tilespmem:v40+s11+$0x0] =	vst.idx.add.f32.msk $0xffff, v39  }
0xc8: {  	v40 =	vor.u32 $0x7, v7;
	v39 =	vld [tilespmem:s19+$0x4030]  }
0xc9: {  	[tilespmem:v45+s11+$0x0] =	vst.idx.add.f32.msk $0xffff, v38  }
0xca: {  	[tilespmem:v48+s11+$0x0] =	vst.idx.add.f32.msk $0xffff, v41  }
0xcb: {  	[tilespmem:v49+s11+$0x0] =	vst.idx.add.f32.msk $0xffff, v42  }
0xcc: {  	v38 =	vld [tilespmem:s19+$0x3000]  }
0xcd: {  	[tilespmem:v40+s11+$0x0] =	vst.idx.add.f32.msk $0xffff, v39  }
0xce: {  	v40 =	vor.u32 $0x8, v7;
	v39 =	vld [tilespmem:s19+$0x4830]  }
0xcf: {  	v41 =	vld [tilespmem:s19+$0x3010]  }
0xd0: {  	v42 =	vld [tilespmem:s19+$0x3020]  }
0xd1: {  	[tilespmem:v50+s11+$0x0] =	vst.idx.add.f32.msk $0xffff, v38  }
0xd2: {  	v38 =	vld [tilespmem:s19+$0x3800]  }
0xd3: {  	[tilespmem:v40+s11+$0x0] =	vst.idx.add.f32.msk $0xffff, v39  }
0xd4: {  	v40 =	vor.u32 $0x9, v7;
	v39 =	vld [tilespmem:s19+$0x5030]  }
0xd5: {  	[tilespmem:v37+s11+$0x0] =	vst.idx.add.f32.msk $0xffff, v41  }
0xd6: {  	[tilespmem:v36+s11+$0x0] =	vst.idx.add.f32.msk $0xffff, v42  }
0xd7: {  	v36 =	vld [tilespmem:s19+$0x3810]  }
0xd8: {  	v37 =	vld [tilespmem:s19+$0x3820]  }
0xd9: {  	[tilespmem:v40+s11+$0x0] =	vst.idx.add.f32.msk $0xffff, v39  }
0xda: {  	v40 =	vor.u32 $0xA, v7;
	v39 =	vld [tilespmem:s19+$0x5830]  }
0xdb: {  	[tilespmem:v34+s11+$0x0] =	vst.idx.add.f32.msk $0xffff, v38  }
0xdc: {  	[tilespmem:v35+s11+$0x0] =	vst.idx.add.f32.msk $0xffff, v36  }
0xdd: {  	[tilespmem:v33+s11+$0x0] =	vst.idx.add.f32.msk $0xffff, v37  }
0xde: {  	v33 =	vld [tilespmem:s19+$0x4000]  }
0xdf: {  	[tilespmem:v40+s11+$0x0] =	vst.idx.add.f32.msk $0xffff, v39  }
0xe0: {  	v35 =	vor.u32 $0xB, v7;
	v34 =	vld [tilespmem:s19+$0x6030]  }
0xe1: {  	v36 =	vld [tilespmem:s19+$0x4010]  }
0xe2: {  	v37 =	vld [tilespmem:s19+$0x4020]  }
0xe3: {  	[tilespmem:v32+s11+$0x0] =	vst.idx.add.f32.msk $0xffff, v33  }
0xe4: {  	v32 =	vld [tilespmem:s19+$0x4800]  }
0xe5: {  	[tilespmem:v35+s11+$0x0] =	vst.idx.add.f32.msk $0xffff, v34  }
0xe6: {  	v34 =	vor.u32 $0xC, v7;
	v33 =	vld [tilespmem:s19+$0x6830]  }
0xe7: {  	[tilespmem:v30+s11+$0x0] =	vst.idx.add.f32.msk $0xffff, v36  }
0xe8: {  	[tilespmem:v31+s11+$0x0] =	vst.idx.add.f32.msk $0xffff, v37  }
0xe9: {  	v30 =	vld [tilespmem:s19+$0x4810]  }
0xea: {  	v31 =	vld [tilespmem:s19+$0x4820]  }
0xeb: {  	[tilespmem:v34+s11+$0x0] =	vst.idx.add.f32.msk $0xffff, v33  }
0xec: {  	v34 =	vor.u32 $0xD, v7;
	v33 =	vld [tilespmem:s19+$0x7030]  }
0xed: {  	[tilespmem:v29+s11+$0x0] =	vst.idx.add.f32.msk $0xffff, v32  }
0xee: {  	[tilespmem:v28+s11+$0x0] =	vst.idx.add.f32.msk $0xffff, v30  }
0xef: {  	[tilespmem:v27+s11+$0x0] =	vst.idx.add.f32.msk $0xffff, v31  }
0xf0: {  	v27 =	vld [tilespmem:s19+$0x5000]  }
0xf1: {  	[tilespmem:v34+s11+$0x0] =	vst.idx.add.f32.msk $0xffff, v33  }
0xf2: {  	v29 =	vor.u32 $0xE, v7;
	v28 =	vld [tilespmem:s19+$0x7830]  }
0xf3: {  	v30 =	vld [tilespmem:s19+$0x5010]  }
0xf4: {  	v31 =	vld [tilespmem:s19+$0x5020]  }
0xf5: {  	[tilespmem:v26+s11+$0x0] =	vst.idx.add.f32.msk $0xffff, v27  }
0xf6: {  	v26 =	vld [tilespmem:s19+$0x5800]  }
0xf7: {  	[tilespmem:v29+s11+$0x0] =	vst.idx.add.f32.msk $0xffff, v28  }
0xf8: {  	v7 =	vor.u32 $0xF, v7;
	v27 =	vld [tilespmem:s19+$0x8030]  }
0xf9: {  	[tilespmem:v25+s11+$0x0] =	vst.idx.add.f32.msk $0xffff, v30  }
0xfa: {  	[tilespmem:v24+s11+$0x0] =	vst.idx.add.f32.msk $0xffff, v31  }
0xfb: {  	v24 =	vld [tilespmem:s19+$0x5810]  }
0xfc: {  	v25 =	vld [tilespmem:s19+$0x5820]  }
0xfd: {  	[tilespmem:v7+s11+$0x0] =	vst.idx.add.f32.msk $0xffff, v27  }
0xfe: {  	[tilespmem:v22+s11+$0x0] =	vst.idx.add.f32.msk $0xffff, v26  }
0xff: {  	v7 =	vld [tilespmem:s19+$0x6000]  }
0x100: {  	[tilespmem:v21+s11+$0x0] =	vst.idx.add.f32.msk $0xffff, v24  }
0x101: {  	[tilespmem:v23+s11+$0x0] =	vst.idx.add.f32.msk $0xffff, v25  }
0x102: {  	v21 =	vld [tilespmem:s19+$0x6010]  }
0x103: {  	v22 =	vld [tilespmem:s19+$0x6020]  }
0x104: {  	[tilespmem:v19+s11+$0x0] =	vst.idx.add.f32.msk $0xffff, v7  }
0x105: {  	v7 =	vld [tilespmem:s19+$0x6800]  }
0x106: {  	v19 =	vld [tilespmem:s16+$0x8020];
	s16 =	smov.u32 s19  }
0x107: {  	[tilespmem:v17+s11+$0x0] =	vst.idx.add.f32.msk $0xffff, v21  }
0x108: {  	[tilespmem:v18+s11+$0x0] =	vst.idx.add.f32.msk $0xffff, v22  }
0x109: {  	v17 =	vld [tilespmem:s16+$0x6810]  }
0x10a: {  	v18 =	vld [tilespmem:s16+$0x6820]  }
0x10b: {  	[tilespmem:v16+s11+$0x0] =	vst.idx.add.f32.msk $0xffff, v7  }
0x10c: {  	v7 =	vld [tilespmem:s16+$0x7000]  }
0x10d: {  	[tilespmem:v0+s11+$0x0] =	vst.idx.add.f32.msk $0xffff, v3;
	v0 =	vmov v20  }
0x10e: {  	[tilespmem:v13+s11+$0x0] =	vst.idx.add.f32.msk $0xffff, v17  }
0x10f: {  	[tilespmem:v15+s11+$0x0] =	vst.idx.add.f32.msk $0xffff, v18  }
0x110: {  	v3 =	vld [tilespmem:s16+$0x7010]  }
0x111: {  	v13 =	vld [tilespmem:s16+$0x7020]  }
0x112: {  	[tilespmem:v12+s11+$0x0] =	vst.idx.add.f32.msk $0xffff, v7  }
0x113: {  	v12 =	vld [tilespmem:s16+$0x7800]  }
0x114: {  	[tilespmem:v1+s11+$0x0] =	vst.idx.add.f32.msk $0xffff, v4;
	v1 =	vmov v14  }
0x115: {  	[tilespmem:v10+s11+$0x0] =	vst.idx.add.f32.msk $0xffff, v3  }
0x116: {  	[tilespmem:v11+s11+$0x0] =	vst.idx.add.f32.msk $0xffff, v13  }
.Ltmp0:
0x117: {  	v7 =	vld [tilespmem:s16+$0x7810];
	(pc) =	sbr.rel @p0 .LBB2_2-.Ltmp0, $4  }
0x118: {  	v4 =	vld [tilespmem:s16+$0x7820]  }
0x119: {  	[tilespmem:v8+s11+$0x0] =	vst.idx.add.f32.msk $0xffff, v12  }
0x11a: {  	v3 =	vld [tilespmem:s16+$0x8000]  }
0x11b: {  	s18 =	sadd.s32 $0x100, s18;
	[tilespmem:v2+s11+$0x0] =	vst.idx.add.f32.msk $0xffff, v19;
	v2 =	vmov v9  }
0x11c: {  	_ =	sdelay $0x3  }
0x11d: {  	[tilespmem:v6+s11+$0x0] =	vst.idx.add.f32.msk $0xffff, v7  }
0x11e: {  	[tilespmem:v5+s11+$0x0] =	vst.idx.add.f32.msk $0xffff, v4  }
0x11f: {  	v4 =	vld [tilespmem:s16+$0x8010]  }
0x120: {  	v5 =	vld [tilespmem:s16+$0x8020];
	_ =	sdelay $0x2  }
0x121: {  	[tilespmem:v0+s11+$0x0] =	vst.idx.add.f32.msk $0xffff, v3  }
0x122: {  	[tilespmem:v1+s11+$0x0] =	vst.idx.add.f32.msk $0xffff, v4  }
0x123: {  	[tilespmem:v2+s11+$0x0] =	vst.idx.add.f32.msk $0xffff, v5  }
0x124: {  	[hbm4b:s6+s13] =	stream.strided.scatter [tilespmem:s11], [sflag:$0x1], $0x10000, s14, s13, $0x38;
	[tilespmem:$0x18800] =	vst v63  }
0x125: {  	_ =	swait.ge [sflag:s10], $0x10000  }
0x126: {  	[sflag:s10] =	ssyncset.done $0x0  }
0x127: {  	s31 =	simm.s32 $0x0;
	[sflag:s10] =	ssyncadd.s32 $0xFFFF0000  }
0x128: {  	[tilespmem:s11], [sflag:$0x1] =	stream.linear.gather [hbm4b:s4+s31], $0x10000, $0x38;
	[tilespmem:$0x18800] =	vst v63  }
0x129: {  	_ =	swait.ge [sflag:s10], $0x10000  }
0x12a: {  	[sflag:s10] =	ssyncset.done $0x0  }
0x12b: {  	[sflag:s10] =	ssyncadd.s32 $0xFFFF0000  }
0x12c: {  	[tilespmem:s12], [sflag:$0x1] =	stream.linear.gather [hbm4b:s7+s31], $0x8000, $0x38;
	[tilespmem:$0x18800] =	vst v63  }
0x12d: {  	_ =	swait.ge [sflag:s10], $0x8000  }
0x12e: {  	[sflag:s10] =	ssyncset.done $0x0  }
0x12f: {  	s16 =	simm.s32 $0x0;
	[sflag:s10] =	ssyncadd.s32 $0xFFFF8000  }
0x130: {  	v0 =	vld [tilespmem:s16+$0x30]  }
0x131: {  	v1 =	vld [tilespmem:s16+$0x0]  }
0x132: {  	v2 =	vld [tilespmem:s16+$0x10]  }
0x133: {  	v4 =	vld [tilespmem:s16+$0x20];
	_ =	sdelay $0x1  }
0x134: {  	v5 =	vld [tilespmem:s16+$0x830];
	v3 =	vshll.u32 v0, $0x4  }
0x135: {  	v6 =	vld [tilespmem:s16+$0x800];
	v0 =	vshll.u32 v1, $0x4  }
0x136: {  	v7 =	vld [tilespmem:s16+$0x810];
	v1 =	vshll.u32 v2, $0x4  }
0x137: {  	v8 =	vld [tilespmem:s16+$0x820];
	v2 =	vshll.u32 v4, $0x4;
	_ =	sdelay $0x1  }
0x138: {  	[tilespmem:v3+s11+$0x0] =	vst.idx.add.f32.msk $0xffff, v5  }
0x139: {  	[tilespmem:v0+s11+$0x0] =	vst.idx.add.f32.msk $0xffff, v6  }
0x13a: {  	[tilespmem:v1+s11+$0x0] =	vst.idx.add.f32.msk $0xffff, v7  }
0x13b: {  	[tilespmem:v2+s11+$0x0] =	vst.idx.add.f32.msk $0xffff, v8  }
0x13c: {  	v5 =	vor.u32 $0x1, v3;
	v4 =	vld [tilespmem:s16+$0x1030]  }
0x13d: {  	v6 =	vor.u32 $0x1, v0;
	v7 =	vld [tilespmem:s16+$0x1000]  }
0x13e: {  	v9 =	vor.u32 $0x1, v1;
	v8 =	vld [tilespmem:s16+$0x1010];
	_ =	sdelay $0x1  }
0x13f: {  	v10 =	vld [tilespmem:s16+$0x1020]  }
0x140: {  	[tilespmem:v5+s11+$0x0] =	vst.idx.add.f32.msk $0xffff, v4  }
0x141: {  	v11 =	vor.u32 $0x1, v2;
	[tilespmem:v6+s11+$0x0] =	vst.idx.add.f32.msk $0xffff, v7  }
0x142: {  	[tilespmem:v9+s11+$0x0] =	vst.idx.add.f32.msk $0xffff, v8  }
0x143: {  	v5 =	vor.u32 $0x2, v3;
	v4 =	vld [tilespmem:s16+$0x1830]  }
0x144: {  	v7 =	vor.u32 $0x2, v0;
	v6 =	vld [tilespmem:s16+$0x1800]  }
0x145: {  	v8 =	vor.u32 $0x2, v1;
	v9 =	vld [tilespmem:s16+$0x1810]  }
0x146: {  	[tilespmem:v11+s11+$0x0] =	vst.idx.add.f32.msk $0xffff, v10  }
0x147: {  	v11 =	vld [tilespmem:s16+$0x1820]  }
0x148: {  	[tilespmem:v5+s11+$0x0] =	vst.idx.add.f32.msk $0xffff, v4  }
0x149: {  	v50 =	vor.u32 $0x2, v2;
	[tilespmem:v7+s11+$0x0] =	vst.idx.add.f32.msk $0xffff, v6  }
0x14a: {  	[tilespmem:v8+s11+$0x0] =	vst.idx.add.f32.msk $0xffff, v9  }
0x14b: {  	v5 =	vor.u32 $0x3, v3;
	v4 =	vld [tilespmem:s16+$0x2030]  }
0x14c: {  	v6 =	vor.u32 $0x3, v0;
	v7 =	vld [tilespmem:s16+$0x2000]  }
0x14d: {  	v51 =	vor.u32 $0x3, v1;
	v8 =	vld [tilespmem:s16+$0x2010]  }
0x14e: {  	[tilespmem:v50+s11+$0x0] =	vst.idx.add.f32.msk $0xffff, v11  }
0x14f: {  	v52 =	vor.u32 $0x3, v2;
	v10 =	vld [tilespmem:s16+$0x2020]  }
0x150: {  	[tilespmem:v5+s11+$0x0] =	vst.idx.add.f32.msk $0xffff, v4  }
0x151: {  	[tilespmem:v6+s11+$0x0] =	vst.idx.add.f32.msk $0xffff, v7  }
0x152: {  	[tilespmem:v51+s11+$0x0] =	vst.idx.add.f32.msk $0xffff, v8  }
0x153: {  	v5 =	vor.u32 $0x4, v3;
	v4 =	vld [tilespmem:s16+$0x2830]  }
0x154: {  	[tilespmem:v52+s11+$0x0] =	vst.idx.add.f32.msk $0xffff, v10  }
0x155: {  	v7 =	vor.u32 $0x4, v0;
	v6 =	vld [tilespmem:s16+$0x2800]  }
0x156: {  	v8 =	vor.u32 $0x4, v1;
	v9 =	vld [tilespmem:s16+$0x2810]  }
0x157: {  	v11 =	vld [tilespmem:s16+$0x2820]  }
0x158: {  	[tilespmem:v5+s11+$0x0] =	vst.idx.add.f32.msk $0xffff, v4  }
0x159: {  	v5 =	vor.u32 $0x5, v3;
	v4 =	vld [tilespmem:s16+$0x3030]  }
0x15a: {  	[tilespmem:v7+s11+$0x0] =	vst.idx.add.f32.msk $0xffff, v6  }
0x15b: {  	v53 =	vor.u32 $0x4, v2;
	[tilespmem:v8+s11+$0x0] =	vst.idx.add.f32.msk $0xffff, v9  }
0x15c: {  	v7 =	vld [tilespmem:s16+$0x3000]  }
0x15d: {  	v6 =	vor.u32 $0x5, v0;
	v8 =	vld [tilespmem:s16+$0x3010]  }
0x15e: {  	v54 =	vor.u32 $0x5, v1;
	[tilespmem:v5+s11+$0x0] =	vst.idx.add.f32.msk $0xffff, v4  }
0x15f: {  	v5 =	vor.u32 $0x6, v3;
	v4 =	vld [tilespmem:s16+$0x3830]  }
0x160: {  	[tilespmem:v53+s11+$0x0] =	vst.idx.add.f32.msk $0xffff, v11  }
0x161: {  	v55 =	vor.u32 $0x5, v2;
	v10 =	vld [tilespmem:s16+$0x3020]  }
0x162: {  	[tilespmem:v6+s11+$0x0] =	vst.idx.add.f32.msk $0xffff, v7  }
0x163: {  	[tilespmem:v54+s11+$0x0] =	vst.idx.add.f32.msk $0xffff, v8  }
0x164: {  	[tilespmem:v5+s11+$0x0] =	vst.idx.add.f32.msk $0xffff, v4  }
0x165: {  	v5 =	vor.u32 $0x7, v3;
	v4 =	vld [tilespmem:s16+$0x4030]  }
0x166: {  	[tilespmem:v55+s11+$0x0] =	vst.idx.add.f32.msk $0xffff, v10  }
0x167: {  	v7 =	vor.u32 $0x6, v0;
	v6 =	vld [tilespmem:s16+$0x3800]  }
0x168: {  	v8 =	vor.u32 $0x6, v1;
	v9 =	vld [tilespmem:s16+$0x3810]  }
0x169: {  	v11 =	vld [tilespmem:s16+$0x3820]  }
0x16a: {  	[tilespmem:v5+s11+$0x0] =	vst.idx.add.f32.msk $0xffff, v4  }
0x16b: {  	v5 =	vor.u32 $0x8, v3;
	v4 =	vld [tilespmem:s16+$0x4830]  }
0x16c: {  	[tilespmem:v7+s11+$0x0] =	vst.idx.add.f32.msk $0xffff, v6  }
0x16d: {  	v56 =	vor.u32 $0x6, v2;
	[tilespmem:v8+s11+$0x0] =	vst.idx.add.f32.msk $0xffff, v9  }
0x16e: {  	v7 =	vld [tilespmem:s16+$0x4000]  }
0x16f: {  	v6 =	vor.u32 $0x7, v0;
	v8 =	vld [tilespmem:s16+$0x4010]  }
0x170: {  	v57 =	vor.u32 $0x7, v1;
	[tilespmem:v5+s11+$0x0] =	vst.idx.add.f32.msk $0xffff, v4  }
0x171: {  	v5 =	vor.u32 $0x9, v3;
	v4 =	vld [tilespmem:s16+$0x5030]  }
0x172: {  	[tilespmem:v56+s11+$0x0] =	vst.idx.add.f32.msk $0xffff, v11  }
0x173: {  	v58 =	vor.u32 $0x7, v2;
	v10 =	vld [tilespmem:s16+$0x4020]  }
0x174: {  	[tilespmem:v6+s11+$0x0] =	vst.idx.add.f32.msk $0xffff, v7  }
0x175: {  	[tilespmem:v57+s11+$0x0] =	vst.idx.add.f32.msk $0xffff, v8  }
0x176: {  	[tilespmem:v5+s11+$0x0] =	vst.idx.add.f32.msk $0xffff, v4  }
0x177: {  	v5 =	vor.u32 $0xA, v3;
	v4 =	vld [tilespmem:s16+$0x5830]  }
0x178: {  	[tilespmem:v58+s11+$0x0] =	vst.idx.add.f32.msk $0xffff, v10  }
0x179: {  	v7 =	vor.u32 $0x8, v0;
	v6 =	vld [tilespmem:s16+$0x4800]  }
0x17a: {  	v8 =	vor.u32 $0x8, v1;
	v9 =	vld [tilespmem:s16+$0x4810]  }
0x17b: {  	v10 =	vld [tilespmem:s16+$0x4820]  }
0x17c: {  	[tilespmem:v5+s11+$0x0] =	vst.idx.add.f32.msk $0xffff, v4  }
0x17d: {  	v5 =	vor.u32 $0xB, v3;
	v4 =	vld [tilespmem:s16+$0x6030]  }
0x17e: {  	[tilespmem:v7+s11+$0x0] =	vst.idx.add.f32.msk $0xffff, v6  }
0x17f: {  	v59 =	vor.u32 $0x8, v2;
	[tilespmem:v8+s11+$0x0] =	vst.idx.add.f32.msk $0xffff, v9  }
0x180: {  	v7 =	vld [tilespmem:s16+$0x5000]  }
0x181: {  	v6 =	vor.u32 $0x9, v0;
	v9 =	vld [tilespmem:s16+$0x5010]  }
0x182: {  	v8 =	vor.u32 $0x9, v1;
	[tilespmem:v5+s11+$0x0] =	vst.idx.add.f32.msk $0xffff, v4  }
0x183: {  	v5 =	vor.u32 $0xC, v3;
	v4 =	vld [tilespmem:s16+$0x6830]  }
0x184: {  	[tilespmem:v59+s11+$0x0] =	vst.idx.add.f32.msk $0xffff, v10  }
0x185: {  	v60 =	vor.u32 $0x9, v2;
	v11 =	vld [tilespmem:s16+$0x5020]  }
0x186: {  	[tilespmem:v6+s11+$0x0] =	vst.idx.add.f32.msk $0xffff, v7  }
0x187: {  	[tilespmem:v8+s11+$0x0] =	vst.idx.add.f32.msk $0xffff, v9  }
0x188: {  	[tilespmem:v5+s11+$0x0] =	vst.idx.add.f32.msk $0xffff, v4  }
0x189: {  	v5 =	vor.u32 $0xD, v3;
	v4 =	vld [tilespmem:s16+$0x7030]  }
0x18a: {  	[tilespmem:v60+s11+$0x0] =	vst.idx.add.f32.msk $0xffff, v11  }
0x18b: {  	v6 =	vor.u32 $0xA, v1;
	v7 =	vld [tilespmem:s16+$0x5810]  }
0x18c: {  	v8 =	vor.u32 $0xA, v2;
	v61 =	vld [tilespmem:s16+$0x5820];
	_ =	sdelay $0x1  }
0x18d: {  	[tilespmem:v5+s11+$0x0] =	vst.idx.add.f32.msk $0xffff, v4  }
0x18e: {  	v4 =	vld [tilespmem:s16+$0x5800];
	v5 =	vor.u32 $0xA, v0  }
0x18f: {  	[tilespmem:v6+s11+$0x0] =	vst.idx.add.f32.msk $0xffff, v7  }
0x190: {  	[tilespmem:v8+s11+$0x0] =	vst.idx.add.f32.msk $0xffff, v61  }
0x191: {  	v6 =	vor.u32 $0xB, v1;
	v7 =	vld [tilespmem:s16+$0x6010]  }
0x192: {  	v62 =	vld [tilespmem:s16+$0x7830]  }
0x193: {  	[tilespmem:v5+s11+$0x0] =	vst.idx.add.f32.msk $0xffff, v4;
	v4 =	vor.u32 $0xE, v3  }
0x194: {  	v63 =	vor.u32 $0xB, v0;
	v5 =	vld [tilespmem:s16+$0x6000]  }
0x195: {  	v9 =	vld [tilespmem:s16+$0x6020]  }
0x196: {  	v8 =	vor.u32 $0xB, v2;
	[tilespmem:v6+s11+$0x0] =	vst.idx.add.f32.msk $0xffff, v7  }
0x197: {  	v7 =	vld [tilespmem:s16+$0x6810]  }
0x198: {  	v6 =	vor.u32 $0xC, v1;
	[tilespmem:v4+s11+$0x0] =	vst.idx.add.f32.msk $0xffff, v62  }
0x199: {  	[tilespmem:v63+s11+$0x0] =	vst.idx.add.f32.msk $0xffff, v5  }
0x19a: {  	v5 =	vor.u32 $0xC, v0;
	v4 =	vld [tilespmem:s16+$0x6800]  }
0x19b: {  	[tilespmem:v8+s11+$0x0] =	vst.idx.add.f32.msk $0xffff, v9  }
0x19c: {  	v8 =	vor.u32 $0xC, v2;
	v9 =	vld [tilespmem:s16+$0x6820]  }
0x19d: {  	[tilespmem:v6+s11+$0x0] =	vst.idx.add.f32.msk $0xffff, v7  }
0x19e: {  	v10 =	vld [tilespmem:s16+$0x8030]  }
0x19f: {  	v3 =	vor.u32 $0xF, v3;
	[tilespmem:v5+s11+$0x0] =	vst.idx.add.f32.msk $0xffff, v4  }
0x1a0: {  	v5 =	vor.u32 $0xD, v0;
	v4 =	vld [tilespmem:s16+$0x7000]  }
0x1a1: {  	[tilespmem:v8+s11+$0x0] =	vst.idx.add.f32.msk $0xffff, v9  }
0x1a2: {  	v6 =	vor.u32 $0xD, v1;
	v7 =	vld [tilespmem:s16+$0x7010]  }
0x1a3: {  	v9 =	vld [tilespmem:s16+$0x7020]  }
0x1a4: {  	v8 =	vor.u32 $0xD, v2;
	[tilespmem:v3+s11+$0x0] =	vst.idx.add.f32.msk $0xffff, v10  }
0x1a5: {  	[tilespmem:v5+s11+$0x0] =	vst.idx.add.f32.msk $0xffff, v4  }
0x1a6: {  	v3 =	vor.u32 $0xE, v0;
	v5 =	vld [tilespmem:s16+$0x7800]  }
0x1a7: {  	[tilespmem:v6+s11+$0x0] =	vst.idx.add.f32.msk $0xffff, v7  }
0x1a8: {  	v6 =	vor.u32 $0xE, v1;
	v7 =	vld [tilespmem:s16+$0x7810]  }
0x1a9: {  	[tilespmem:v8+s11+$0x0] =	vst.idx.add.f32.msk $0xffff, v9  }
0x1aa: {  	v4 =	vld [tilespmem:s16+$0x7820]  }
0x1ab: {  	v1 =	vor.u32 $0xF, v1;
	[tilespmem:v3+s11+$0x0] =	vst.idx.add.f32.msk $0xffff, v5  }
0x1ac: {  	s17 =	simm.s32 $0x0;
	s18 =	simm.s32 $0x100;
	v0 =	vor.u32 $0xF, v0;
	v5 =	vor.u32 $0xE, v2;
	v2 =	vor.u32 $0xF, v2;
	v3 =	vld [tilespmem:s16+$0x8000]  }
.LBB2_4:
0x1ad: {  	s19 =	sshra.s32 s18, $0x2;
	s17 =	sadd.s32 $0x4, s17;
	[tilespmem:v6+s11+$0x0] =	vst.idx.add.f32.msk $0xffff, v7  }
0x1ae: {  	v6 =	vld [tilespmem:s19+$0x30];
	p0 =	slt.u32 s17, $0x7C  }
0x1af: {  	v8 =	vld [tilespmem:s19+$0x0]  }
0x1b0: {  	v9 =	vld [tilespmem:s19+$0x10]  }
0x1b1: {  	v10 =	vld [tilespmem:s19+$0x20]  }
0x1b2: {  	v11 =	vld [tilespmem:s19+$0x800]  }
0x1b3: {  	v12 =	vld [tilespmem:s19+$0x830];
	v7 =	vshll.u32 v6, $0x4  }
0x1b4: {  	v14 =	vshll.u32 v8, $0x4;
	v6 =	vld [tilespmem:s19+$0x810]  }
0x1b5: {  	v8 =	vor.u32 $0x1, v14;
	v38 =	vor.u32 $0x2, v14;
	v9 =	vshll.u32 v9, $0x4;
	v13 =	vld [tilespmem:s19+$0x820]  }
0x1b6: {  	v39 =	vor.u32 $0x1, v9;
	v40 =	vor.u32 $0x2, v9;
	v41 =	vshll.u32 v10, $0x4;
	[tilespmem:v5+s11+$0x0] =	vst.idx.add.f32.msk $0xffff, v4  }
0x1b7: {  	v42 =	vor.u32 $0x3, v14;
	v43 =	vor.u32 $0x1, v41;
	v44 =	vor.u32 $0x2, v41;
	v4 =	vld [tilespmem:s16+$0x8010]  }
0x1b8: {  	v45 =	vor.u32 $0x4, v14;
	v46 =	vor.u32 $0x3, v9;
	v47 =	vor.u32 $0x3, v41;
	[tilespmem:v7+s11+$0x0] =	vst.idx.add.f32.msk $0xffff, v12  }
0x1b9: {  	v48 =	vor.u32 $0x4, v9;
	v10 =	vor.u32 $0x1, v7;
	v49 =	vor.u32 $0x4, v41;
	v5 =	vld [tilespmem:s19+$0x1030]  }
0x1ba: {  	v50 =	vor.u32 $0x5, v14;
	v37 =	vor.u32 $0x5, v9;
	v36 =	vor.u32 $0x5, v41;
	[tilespmem:v14+s11+$0x0] =	vst.idx.add.f32.msk $0xffff, v11  }
0x1bb: {  	v34 =	vor.u32 $0x6, v14;
	v35 =	vor.u32 $0x6, v9;
	v33 =	vor.u32 $0x6, v41;
	[tilespmem:v9+s11+$0x0] =	vst.idx.add.f32.msk $0xffff, v6  }
0x1bc: {  	v32 =	vor.u32 $0x7, v14;
	v30 =	vor.u32 $0x7, v9;
	v31 =	vor.u32 $0x7, v41;
	[tilespmem:v41+s11+$0x0] =	vst.idx.add.f32.msk $0xffff, v13  }
0x1bd: {  	v29 =	vor.u32 $0x8, v14;
	v28 =	vor.u32 $0x8, v9;
	v27 =	vor.u32 $0x8, v41;
	v6 =	vld [tilespmem:s19+$0x1000]  }
0x1be: {  	v26 =	vor.u32 $0x9, v14;
	v25 =	vor.u32 $0x9, v9;
	v24 =	vor.u32 $0x9, v41;
	[tilespmem:v10+s11+$0x0] =	vst.idx.add.f32.msk $0xffff, v5  }
0x1bf: {  	v52 =	vor.u32 $0x2, v7;
	v22 =	vor.u32 $0xA, v14;
	v21 =	vor.u32 $0xA, v9;
	v51 =	vld [tilespmem:s19+$0x1830]  }
0x1c0: {  	v19 =	vor.u32 $0xB, v14;
	v17 =	vor.u32 $0xB, v9;
	v23 =	vor.u32 $0xA, v41;
	v53 =	vld [tilespmem:s19+$0x1010]  }
0x1c1: {  	v16 =	vor.u32 $0xC, v14;
	v18 =	vor.u32 $0xB, v41;
	v13 =	vor.u32 $0xC, v9;
	v54 =	vld [tilespmem:s19+$0x1020]  }
0x1c2: {  	v15 =	vor.u32 $0xC, v41;
	v12 =	vor.u32 $0xD, v14;
	v10 =	vor.u32 $0xD, v9;
	[tilespmem:v8+s11+$0x0] =	vst.idx.add.f32.msk $0xffff, v6  }
0x1c3: {  	v11 =	vor.u32 $0xD, v41;
	v8 =	vor.u32 $0xE, v14;
	v6 =	vor.u32 $0xE, v9;
	v55 =	vld [tilespmem:s19+$0x1800]  }
0x1c4: {  	v20 =	vor.u32 $0xF, v14;
	v5 =	vor.u32 $0xE, v41;
	v14 =	vor.u32 $0xF, v9;
	[tilespmem:v52+s11+$0x0] =	vst.idx.add.f32.msk $0xffff, v51  }
0x1c5: {  	v9 =	vor.u32 $0xF, v41;
	v51 =	vor.u32 $0x3, v7;
	v41 =	vld [tilespmem:s19+$0x2030]  }
0x1c6: {  	[tilespmem:v39+s11+$0x0] =	vst.idx.add.f32.msk $0xffff, v53  }
0x1c7: {  	[tilespmem:v43+s11+$0x0] =	vst.idx.add.f32.msk $0xffff, v54  }
0x1c8: {  	v39 =	vld [tilespmem:s19+$0x1810]  }
0x1c9: {  	v43 =	vld [tilespmem:s19+$0x1820]  }
0x1ca: {  	[tilespmem:v51+s11+$0x0] =	vst.idx.add.f32.msk $0xffff, v41  }
0x1cb: {  	v51 =	vor.u32 $0x4, v7;
	v41 =	vld [tilespmem:s19+$0x2830]  }
0x1cc: {  	[tilespmem:v38+s11+$0x0] =	vst.idx.add.f32.msk $0xffff, v55  }
0x1cd: {  	[tilespmem:v40+s11+$0x0] =	vst.idx.add.f32.msk $0xffff, v39  }
0x1ce: {  	[tilespmem:v44+s11+$0x0] =	vst.idx.add.f32.msk $0xffff, v43  }
0x1cf: {  	v38 =	vld [tilespmem:s19+$0x2000]  }
0x1d0: {  	[tilespmem:v51+s11+$0x0] =	vst.idx.add.f32.msk $0xffff, v41  }
0x1d1: {  	v40 =	vor.u32 $0x5, v7;
	v39 =	vld [tilespmem:s19+$0x3030]  }
0x1d2: {  	v41 =	vld [tilespmem:s19+$0x2010]  }
0x1d3: {  	v43 =	vld [tilespmem:s19+$0x2020]  }
0x1d4: {  	[tilespmem:v42+s11+$0x0] =	vst.idx.add.f32.msk $0xffff, v38  }
0x1d5: {  	v38 =	vld [tilespmem:s19+$0x2800]  }
0x1d6: {  	[tilespmem:v40+s11+$0x0] =	vst.idx.add.f32.msk $0xffff, v39  }
0x1d7: {  	v40 =	vor.u32 $0x6, v7;
	v39 =	vld [tilespmem:s19+$0x3830]  }
0x1d8: {  	[tilespmem:v46+s11+$0x0] =	vst.idx.add.f32.msk $0xffff, v41  }
0x1d9: {  	[tilespmem:v47+s11+$0x0] =	vst.idx.add.f32.msk $0xffff, v43  }
0x1da: {  	v41 =	vld [tilespmem:s19+$0x2810]  }
0x1db: {  	v42 =	vld [tilespmem:s19+$0x2820]  }
0x1dc: {  	[tilespmem:v40+s11+$0x0] =	vst.idx.add.f32.msk $0xffff, v39  }
0x1dd: {  	v40 =	vor.u32 $0x7, v7;
	v39 =	vld [tilespmem:s19+$0x4030]  }
0x1de: {  	[tilespmem:v45+s11+$0x0] =	vst.idx.add.f32.msk $0xffff, v38  }
0x1df: {  	[tilespmem:v48+s11+$0x0] =	vst.idx.add.f32.msk $0xffff, v41  }
0x1e0: {  	[tilespmem:v49+s11+$0x0] =	vst.idx.add.f32.msk $0xffff, v42  }
0x1e1: {  	v38 =	vld [tilespmem:s19+$0x3000]  }
0x1e2: {  	[tilespmem:v40+s11+$0x0] =	vst.idx.add.f32.msk $0xffff, v39  }
0x1e3: {  	v40 =	vor.u32 $0x8, v7;
	v39 =	vld [tilespmem:s19+$0x4830]  }
0x1e4: {  	v41 =	vld [tilespmem:s19+$0x3010]  }
0x1e5: {  	v42 =	vld [tilespmem:s19+$0x3020]  }
0x1e6: {  	[tilespmem:v50+s11+$0x0] =	vst.idx.add.f32.msk $0xffff, v38  }
0x1e7: {  	v38 =	vld [tilespmem:s19+$0x3800]  }
0x1e8: {  	[tilespmem:v40+s11+$0x0] =	vst.idx.add.f32.msk $0xffff, v39  }
0x1e9: {  	v40 =	vor.u32 $0x9, v7;
	v39 =	vld [tilespmem:s19+$0x5030]  }
0x1ea: {  	[tilespmem:v37+s11+$0x0] =	vst.idx.add.f32.msk $0xffff, v41  }
0x1eb: {  	[tilespmem:v36+s11+$0x0] =	vst.idx.add.f32.msk $0xffff, v42  }
0x1ec: {  	v36 =	vld [tilespmem:s19+$0x3810]  }
0x1ed: {  	v37 =	vld [tilespmem:s19+$0x3820]  }
0x1ee: {  	[tilespmem:v40+s11+$0x0] =	vst.idx.add.f32.msk $0xffff, v39  }
0x1ef: {  	v40 =	vor.u32 $0xA, v7;
	v39 =	vld [tilespmem:s19+$0x5830]  }
0x1f0: {  	[tilespmem:v34+s11+$0x0] =	vst.idx.add.f32.msk $0xffff, v38  }
0x1f1: {  	[tilespmem:v35+s11+$0x0] =	vst.idx.add.f32.msk $0xffff, v36  }
0x1f2: {  	[tilespmem:v33+s11+$0x0] =	vst.idx.add.f32.msk $0xffff, v37  }
0x1f3: {  	v33 =	vld [tilespmem:s19+$0x4000]  }
0x1f4: {  	[tilespmem:v40+s11+$0x0] =	vst.idx.add.f32.msk $0xffff, v39  }
0x1f5: {  	v35 =	vor.u32 $0xB, v7;
	v34 =	vld [tilespmem:s19+$0x6030]  }
0x1f6: {  	v36 =	vld [tilespmem:s19+$0x4010]  }
0x1f7: {  	v37 =	vld [tilespmem:s19+$0x4020]  }
0x1f8: {  	[tilespmem:v32+s11+$0x0] =	vst.idx.add.f32.msk $0xffff, v33  }
0x1f9: {  	v32 =	vld [tilespmem:s19+$0x4800]  }
0x1fa: {  	[tilespmem:v35+s11+$0x0] =	vst.idx.add.f32.msk $0xffff, v34  }
0x1fb: {  	v34 =	vor.u32 $0xC, v7;
	v33 =	vld [tilespmem:s19+$0x6830]  }
0x1fc: {  	[tilespmem:v30+s11+$0x0] =	vst.idx.add.f32.msk $0xffff, v36  }
0x1fd: {  	[tilespmem:v31+s11+$0x0] =	vst.idx.add.f32.msk $0xffff, v37  }
0x1fe: {  	v30 =	vld [tilespmem:s19+$0x4810]  }
0x1ff: {  	v31 =	vld [tilespmem:s19+$0x4820]  }
0x200: {  	[tilespmem:v34+s11+$0x0] =	vst.idx.add.f32.msk $0xffff, v33  }
0x201: {  	v34 =	vor.u32 $0xD, v7;
	v33 =	vld [tilespmem:s19+$0x7030]  }
0x202: {  	[tilespmem:v29+s11+$0x0] =	vst.idx.add.f32.msk $0xffff, v32  }
0x203: {  	[tilespmem:v28+s11+$0x0] =	vst.idx.add.f32.msk $0xffff, v30  }
0x204: {  	[tilespmem:v27+s11+$0x0] =	vst.idx.add.f32.msk $0xffff, v31  }
0x205: {  	v27 =	vld [tilespmem:s19+$0x5000]  }
0x206: {  	[tilespmem:v34+s11+$0x0] =	vst.idx.add.f32.msk $0xffff, v33  }
0x207: {  	v29 =	vor.u32 $0xE, v7;
	v28 =	vld [tilespmem:s19+$0x7830]  }
0x208: {  	v30 =	vld [tilespmem:s19+$0x5010]  }
0x209: {  	v31 =	vld [tilespmem:s19+$0x5020]  }
0x20a: {  	[tilespmem:v26+s11+$0x0] =	vst.idx.add.f32.msk $0xffff, v27  }
0x20b: {  	v26 =	vld [tilespmem:s19+$0x5800]  }
0x20c: {  	[tilespmem:v29+s11+$0x0] =	vst.idx.add.f32.msk $0xffff, v28  }
0x20d: {  	v7 =	vor.u32 $0xF, v7;
	v27 =	vld [tilespmem:s19+$0x8030]  }
0x20e: {  	[tilespmem:v25+s11+$0x0] =	vst.idx.add.f32.msk $0xffff, v30  }
0x20f: {  	[tilespmem:v24+s11+$0x0] =	vst.idx.add.f32.msk $0xffff, v31  }
0x210: {  	v24 =	vld [tilespmem:s19+$0x5810]  }
0x211: {  	v25 =	vld [tilespmem:s19+$0x5820]  }
0x212: {  	[tilespmem:v7+s11+$0x0] =	vst.idx.add.f32.msk $0xffff, v27  }
0x213: {  	[tilespmem:v22+s11+$0x0] =	vst.idx.add.f32.msk $0xffff, v26  }
0x214: {  	v7 =	vld [tilespmem:s19+$0x6000]  }
0x215: {  	[tilespmem:v21+s11+$0x0] =	vst.idx.add.f32.msk $0xffff, v24  }
0x216: {  	[tilespmem:v23+s11+$0x0] =	vst.idx.add.f32.msk $0xffff, v25  }
0x217: {  	v21 =	vld [tilespmem:s19+$0x6010]  }
0x218: {  	v22 =	vld [tilespmem:s19+$0x6020]  }
0x219: {  	[tilespmem:v19+s11+$0x0] =	vst.idx.add.f32.msk $0xffff, v7  }
0x21a: {  	v7 =	vld [tilespmem:s19+$0x6800]  }
0x21b: {  	v19 =	vld [tilespmem:s16+$0x8020];
	s16 =	smov.u32 s19  }
0x21c: {  	[tilespmem:v17+s11+$0x0] =	vst.idx.add.f32.msk $0xffff, v21  }
0x21d: {  	[tilespmem:v18+s11+$0x0] =	vst.idx.add.f32.msk $0xffff, v22  }
0x21e: {  	v17 =	vld [tilespmem:s16+$0x6810]  }
0x21f: {  	v18 =	vld [tilespmem:s16+$0x6820]  }
0x220: {  	[tilespmem:v16+s11+$0x0] =	vst.idx.add.f32.msk $0xffff, v7  }
0x221: {  	v7 =	vld [tilespmem:s16+$0x7000]  }
0x222: {  	[tilespmem:v0+s11+$0x0] =	vst.idx.add.f32.msk $0xffff, v3;
	v0 =	vmov v20  }
0x223: {  	[tilespmem:v13+s11+$0x0] =	vst.idx.add.f32.msk $0xffff, v17  }
0x224: {  	[tilespmem:v15+s11+$0x0] =	vst.idx.add.f32.msk $0xffff, v18  }
0x225: {  	v3 =	vld [tilespmem:s16+$0x7010]  }
0x226: {  	v13 =	vld [tilespmem:s16+$0x7020]  }
0x227: {  	[tilespmem:v12+s11+$0x0] =	vst.idx.add.f32.msk $0xffff, v7  }
0x228: {  	v12 =	vld [tilespmem:s16+$0x7800]  }
0x229: {  	[tilespmem:v1+s11+$0x0] =	vst.idx.add.f32.msk $0xffff, v4;
	v1 =	vmov v14  }
0x22a: {  	[tilespmem:v10+s11+$0x0] =	vst.idx.add.f32.msk $0xffff, v3  }
0x22b: {  	[tilespmem:v11+s11+$0x0] =	vst.idx.add.f32.msk $0xffff, v13  }
.Ltmp1:
0x22c: {  	v7 =	vld [tilespmem:s16+$0x7810];
	(pc) =	sbr.rel @p0 .LBB2_4-.Ltmp1, $4  }
0x22d: {  	v4 =	vld [tilespmem:s16+$0x7820]  }
0x22e: {  	[tilespmem:v8+s11+$0x0] =	vst.idx.add.f32.msk $0xffff, v12  }
0x22f: {  	v3 =	vld [tilespmem:s16+$0x8000]  }
0x230: {  	s18 =	sadd.s32 $0x100, s18;
	[tilespmem:v2+s11+$0x0] =	vst.idx.add.f32.msk $0xffff, v19;
	v2 =	vmov v9  }
0x231: {  	_ =	sdelay $0x3  }
0x232: {  	[tilespmem:v6+s11+$0x0] =	vst.idx.add.f32.msk $0xffff, v7  }
0x233: {  	[tilespmem:v5+s11+$0x0] =	vst.idx.add.f32.msk $0xffff, v4  }
0x234: {  	v63 =	vld [tilespmem:s16+$0x8010]  }
0x235: {  	v5 =	vld [tilespmem:s16+$0x8020];
	_ =	sdelay $0x2  }
0x236: {  	s15 =	sadd.s32 $0x1, s15;
	[tilespmem:v0+s11+$0x0] =	vst.idx.add.f32.msk $0xffff, v3  }
0x237: {  	p0 =	sne.s32 s15, s9;
	[tilespmem:v1+s11+$0x0] =	vst.idx.add.f32.msk $0xffff, v63  }
.Ltmp2:
0x238: {  	[tilespmem:v2+s11+$0x0] =	vst.idx.add.f32.msk $0xffff, v5;
	(pc) =	sbr.rel @p0 .LBB2_1-.Ltmp2, $4  }
0x239: {  	[hbm4b:s8+s13] =	stream.strided.scatter [tilespmem:s11], [sflag:$0x1], $0x10000, s14, s13, $0x38;
	[tilespmem:$0x18800] =	vst v63  }
0x23a: {  	_ =	swait.ge [sflag:s10], $0x10000  }
0x23b: {  	[sflag:s10] =	ssyncset.done $0x0  }
0x23c: {  	[sflag:s10] =	ssyncadd.s32 $0xFFFF0000  }
0x23d: {  	_ =	sfence.sel $0x180000  }
0x23e: {  	[bflag:$0x0] =	sbarrier.arrive $0xFFFF  }
0x23f: {  	p0 =	sne.s32 s2, $0x0;
	_ =	strace $0x90000047  }
0x240: {  	s0 =	sadd.s32 @!p0 $0x100000, s0;
	[bflag:$0x2] =	sbarrier.arrive $0xFFFF  }
0x241: {  	[sflag:s0] =	ssyncadd.tile.s32 @!p0 $0x1;
	_ =	shalt  }
.Lfunc_end2:
_tile_overlayer_lowered:
.L_overlay_start_2:
0x242: {  	(tag) =	ssettag $0x2  }
0x243: {  	s0 =	rddreg [dreg:$0x0];
	s2 =	stileid.u32  }
0x244: {  	s1 =	rddreg [dreg:$0x1];
	p0 =	sne.s32 s2, $0x0  }
0x245: {  	s3 =	rddreg [dreg:$0x2];
	[bflag:$0x3] =	sbarrier.arrive $0xFFFF;
	s2 =	simm.s32 @!p0 $0x1C01  }
0x246: {  	[timem:s3], [sflag:s2] =	dma.local @!p0 [hbm:s0], s1  }
0x247: {  	s0 =	simm.s32 @!p0 $0x1  }
0x248: {  	_ =	swait.ge @!p0 [sflag:s0], s1  }
0x249: {  	s1 =	ssub.s32 @!p0 $0x0, s1;
	[sflag:s0] =	ssyncset.done @!p0 $0x0  }
0x24a: {  	[sflag:s0] =	ssyncadd.s32 @!p0 s1  }
0x24b: {  	[bflag:$0x3] =	sbarrier.arrive $0xFFFF  }
0x24c: {  	_ =	shalt  }

// kernel: kernel.8.cloned.1.call-start
scs
__scs_entry_jumppad:
0x0: {  	(pc) =	sbr.rel $0x88, $3  }
0x1: {  	(tag) =	ssettag $0x0;
	lr =	simm.s32 $0x1  }
0x2: {  	[smem:$0x3F91] =	sst lr;
	_ =	strace $0xD0000000  }
0x3: {  	_ = 	snop  }
0x4: {  	_ = 	snop  }
0x5: {  	_ = 	snop  }
0x6: {  	_ = 	snop  }
0x7: {  	_ = 	snop  }
__scs_overlays_trampoline_lowered:
0x8: {  	[smem:$0x3FA0] =	sst s0  }
0x9: {  	[smem:$0x3FA1] =	sst s1  }
0xa: {  	[smem:$0x3FA2] =	sst s2  }
0xb: {  	[smem:$0x3FA3] =	sst s3  }
0xc: {  	[smem:$0x3FA4] =	sst s4  }
0xd: {  	[smem:$0x3FA5] =	sst s5  }
0xe: {  	[smem:$0x3FA6] =	sst s6  }
0xf: {  	[smem:$0x3FA7] =	sst s7  }
0x10: {  	[smem:$0x3FA8] =	sst s8  }
0x11: {  	[smem:$0x3FA9] =	sst s9;
	s0 =	simm.s32 @!p0 $0x0  }
0x12: {  	s1 =	sld [smem:$0x3F8F];
	s0 =	simm.s32 @p0 $0x1  }
0x13: {  	[smem:$0x3FAA] =	sst s0;
	s0 =	simm.s32 @!p1 $0x0  }
0x14: {  	s2 =	sld [smem:$0x3F8E];
	s0 =	simm.s32 @p1 $0x1  }
0x15: {  	[smem:$0x3FAB] =	sst s0;
	s0 =	simm.s32 @!p2 $0x0  }
0x16: {  	s3 =	sld [smem:$0x3FDB];
	s0 =	simm.s32 @p2 $0x1  }
0x17: {  	s4 =	simm.s32 $0x1BF5;
	[smem:$0x3FAD] =	sst s0  }
0x18: {  	s0 =	sld [smem:$0x3F90];
	_ =	swait.ge [sflag:s4], $0x0  }
0x19: {  	s7 =	sld [smem:$0x3F91]  }
0x1a: {  	s8 =	sadd.s32 $0xFFFFE003, lr  }
0x1b: {  	s9 =	sadd.s32 $0xFFFFFEF7, lr;
	s5 =	simm.s32 $0xFFFFFFFF;
	p2 =	slt.u32 s8, $0xFFFFF086  }
0x1c: {  	p1 =	slt.u32 s9, $0xF7A;
	s5 =	simm.s32 @!p2 $0x0  }
0x1d: {  	s5 =	simm.s32 @p1 $0x1;
	p0 =	seq.s32 s7, s2  }
0x1e: {  	s7 =	smul.u32 @!p0 $0xF7A, s2;
	p2 =	seq.s32 @!p0 s5, $0x0  }
0x1f: {  	s9 =	smul.u32 $0xF7A, s1;
	s8 =	simm.s32 @!p0 $0x1BF5;
	p2 =	por !p2, p0  }
0x20: {  	[sflag:s8] =	ssyncset.s32 @!p0 $0xFFFFF086;
	s6 =	sadd.s32 @!p0 s3, s7;
	s7 =	simm.s32 @!p0 $0x108  }
0x21: {  	s3 =	sadd.s32 s3, s9;
	s6 =	sadd.s32 @!p0 $0x88, s6;
	s7 =	simm.s32 @p2 $0x1082  }
0x22: {  	[simem:s7], [sflag:s8] =	dma.local @!p0 [hbm:s6], $0xF7A  }
0x23: {  	s9 =	sor.u32 $0xD0000000, s2;
	s6 =	simm.s32 $0x108;
	_ =	swait.ge @!p0 [sflag:s8], $0x0  }
0x24: {  	s3 =	sadd.s32 $0x88, s3;
	s6 =	simm.s32 @!p1 $0x1082;
	[sflag:s4] =	ssyncset.s32 $0xFFFFF086  }
0x25: {  	[simem:s6], [sflag:s4] =	dma.local [hbm:s3], $0xF7A  }
0x26: {  	[smem:$0x3F91] =	sst s1;
	(tag) =	ssettag s2;
	_ =	strace s9  }
0x27: {  	s1 =	sld [smem:$0x3FA1]  }
0x28: {  	s2 =	sld [smem:$0x3FA2]  }
0x29: {  	s4 =	sld [smem:$0x3FA4]  }
0x2a: {  	p0 =	seq.s32 s5, $0x0;
	s5 =	sld [smem:$0x3FA5]  }
0x2b: {  	s6 =	sld [smem:$0x3FA6]  }
0x2c: {  	s7 =	sld [smem:$0x3FA7]  }
0x2d: {  	s3 =	simm.s32 $0x108;
	s8 =	sld [smem:$0x3FA8]  }
0x2e: {  	s3 =	simm.s32 @!p0 $0x1082;
	s9 =	sld [smem:$0x3FA9]  }
0x2f: {  	lr =	sadd.s32 s0, s3;
	s0 =	sld [smem:$0x3FA0]  }
0x30: {  	s3 =	sld [smem:$0x3FA3]  }
0x31: {  	[smem:$0x3FAC] =	sst s10  }
0x32: {  	s10 =	sld [smem:$0x3FAA];
	_ =	sdelay $0x3  }
0x33: {  	p0 =	seq.s32 s10, $0x1;
	s10 =	sld [smem:$0x3FAC];
	_ =	sdelay $0x3  }
0x34: {  	[smem:$0x3FAC] =	sst s10  }
0x35: {  	s10 =	sld [smem:$0x3FAB];
	_ =	sdelay $0x3  }
0x36: {  	p1 =	seq.s32 s10, $0x1;
	s10 =	sld [smem:$0x3FAC];
	_ =	sdelay $0x3  }
0x37: {  	[smem:$0x3FAC] =	sst s10  }
0x38: {  	s10 =	sld [smem:$0x3FAD]  }
0x39: {  	_ = 	snop;
	(pc) =	sbr.ind lr, $3  }
0x3a: {  	_ = 	snop  }
0x3b: {  	_ = 	snop  }
0x3c: {  	p2 =	seq.s32 s10, $0x1;
	s10 =	sld [smem:$0x3FAC]  }
0x3d: {  	_ =	shalt  }
0x3e: {  	_ =	shalt  }
0x3f: {  	_ =	shalt  }
0x40: {  	_ =	shalt  }
0x41: {  	_ =	shalt  }
0x42: {  	_ =	shalt  }
0x43: {  	_ =	shalt  }
0x44: {  	_ =	shalt  }
0x45: {  	_ =	shalt  }
0x46: {  	_ =	shalt  }
0x47: {  	_ =	shalt  }
0x48: {  	_ =	shalt  }
0x49: {  	_ =	shalt  }
0x4a: {  	_ =	shalt  }
0x4b: {  	_ =	shalt  }
0x4c: {  	_ =	shalt  }
0x4d: {  	_ =	shalt  }
0x4e: {  	_ =	shalt  }
0x4f: {  	_ =	shalt  }
0x50: {  	_ =	shalt  }
0x51: {  	_ =	shalt  }
0x52: {  	_ =	shalt  }
0x53: {  	_ =	shalt  }
0x54: {  	_ =	shalt  }
0x55: {  	_ =	shalt  }
0x56: {  	_ =	shalt  }
0x57: {  	_ =	shalt  }
0x58: {  	_ =	shalt  }
0x59: {  	_ =	shalt  }
0x5a: {  	_ =	shalt  }
0x5b: {  	_ =	shalt  }
0x5c: {  	_ =	shalt  }
0x5d: {  	_ =	shalt  }
0x5e: {  	_ =	shalt  }
0x5f: {  	_ =	shalt  }
0x60: {  	_ =	shalt  }
0x61: {  	_ =	shalt  }
0x62: {  	_ =	shalt  }
0x63: {  	_ =	shalt  }
0x64: {  	_ =	shalt  }
0x65: {  	_ =	shalt  }
0x66: {  	_ =	shalt  }
0x67: {  	_ =	shalt  }
0x68: {  	_ =	shalt  }
0x69: {  	_ =	shalt  }
0x6a: {  	_ =	shalt  }
0x6b: {  	_ =	shalt  }
0x6c: {  	_ =	shalt  }
0x6d: {  	_ =	shalt  }
0x6e: {  	_ =	shalt  }
0x6f: {  	_ =	shalt  }
0x70: {  	_ =	shalt  }
0x71: {  	_ =	shalt  }
0x72: {  	_ =	shalt  }
0x73: {  	_ =	shalt  }
0x74: {  	_ =	shalt  }
0x75: {  	_ =	shalt  }
0x76: {  	_ =	shalt  }
0x77: {  	_ =	shalt  }
0x78: {  	_ =	shalt  }
0x79: {  	_ =	shalt  }
0x7a: {  	_ =	shalt  }
0x7b: {  	_ =	shalt  }
0x7c: {  	_ =	shalt  }
0x7d: {  	_ =	shalt  }
0x7e: {  	_ =	shalt  }
0x7f: {  	_ =	shalt  }
0x80: {  	_ =	shalt  }
0x81: {  	_ =	shalt  }
0x82: {  	_ =	shalt  }
0x83: {  	_ =	shalt  }
0x84: {  	_ =	shalt  }
0x85: {  	_ =	shalt  }
0x86: {  	_ =	shalt  }
0x87: {  	_ =	shalt  }
.Lfunc_end0:
.L_simem_size_0:
called_computation_lowered:
.L_overlay_start_0:
0x88: {  	s2 =	sld [smem:$0x3FD9]  }
0x89: {  	s3 =	sld [smem:$0x3FFE];
	_ =	sdelay $0x1  }
0x8a: {  	s1 =	srdreg.scid  }
0x8b: {  	s0 =	sand.u32 $0x1, s1  }
0x8c: {  	s17 =	sshll.u32 s0, $0xA;
	s2 =	sadd.s32 s3, s2  }
0x8d: {  	s2 =	sadd.s32 s2, s17  }
0x8e: {  	[smem:$0x3FB8] =	sst s2  }
0x8f: {  	_ = 	snop  }
0x90: {  	s18 =	sld [smem:$0x3FC9];
	(tm) =	ssettm $0x1  }
0x91: {  	s19 =	sld [smem:$0x3FFB];
	_ =	sdelay $0x3  }
0x92: {  	_ =	strace s19  }
0x93: {  	s2 =	sld [smem:$0x3FFC];
	_ =	sdelay $0x3  }
0x94: {  	_ =	strace s2  }
0x95: {  	s2 =	sld [smem:$0x3FFD];
	_ =	sdelay $0x3  }
0x96: {  	_ =	strace s2  }
0x97: {  	_ =	strace $0x8FFFFFFF  }
0x98: {  	s20 =	sld [smem:$0x3FDB];
	_ =	sdelay $0x1  }
0x99: {  	s4 =	simm.s32 $_scs_section_size  }
0x9a: {  	s5 =	simm.s32 $_size__tile_overlayer_lowered;
	s6 =	simm.s32 $_tile_overlayer_lowered  }
0x9b: {  	s7 =	simm.s32 $0x1BFF;
	s21 =	sshll.u32 s6, $0x1;
	s4 =	sadd.s32 s4, s20  }
0x9c: {  	s22 =	simm.s32 $0x0;
	s5 =	sshll.u32 s5, $0x1;
	s6 =	sadd.s32 s21, s4  }
0x9d: {  	[timem:s22], [sflag:s7] =	dma.local [hbm:s6], s5  }
0x9e: {  	_ =	swait.ge [sflag:s7], s5  }
0x9f: {  	s5 =	ssub.s32 $0x0, s5;
	[sflag:s7] =	ssyncset.done $0x0  }
0xa0: {  	[sflag:s7] =	ssyncadd.s32 s5;
	_ =	sdelay $0x1  }
0xa1: {  	s23 =	simm.s32 $0x1B8B  }
0xa2: {  	_ =	swait.ge [sflag:s23], $0x1  }
0xa3: {  	[sflag:s23] =	ssyncset.done $0x0  }
0xa4: {  	[sflag:s23] =	ssyncadd.s32 $0xFFFFFFFF  }
0xa5: {  	s5 =	sld [smem:$0x0]  }
0xa6: {  	s6 =	sand.u32 $0xFFFFFFFE, s1  }
0xa7: {  	p0 =	sne.s32 s1, s6  }
0xa8: {  	s6 =	sshll.u32 @p0 s6, $0xE  }
0xa9: {  	s6 =	sadd.s32 @p0 $0x11B8D, s6;
	s7 =	sshll.u32 @p0 s5, $0x11  }
0xaa: {  	s6 =	sor.u32 @p0 s7, s6  }
0xab: {  	[sflag:s6] =	ssyncadd.remote.s32 @p0 $0x1;
	_ =	sdelay $0x1  }
0xac: {  	s6 =	simm.s32 @p0 $0x1B8D  }
0xad: {  	_ =	swait.eq @p0 [sflag:s6], $0x1  }
0xae: {  	[sflag:s6] =	ssyncadd.s32 @p0 $0xFFFFFFFF  }
0xaf: {  	s7 =	sshll.u32 @!p0 s1, $0xE  }
0xb0: {  	s7 =	sor.u32 @!p0 $0x4000, s7;
	s6 =	simm.s32 @!p0 $0x1B8D  }
0xb1: {  	s5 =	sshll.u32 @!p0 s5, $0x11;
	s7 =	sadd.s32 @!p0 $0x11B8D, s7;
	_ =	swait.eq @!p0 [sflag:s6], $0x1  }
0xb2: {  	s5 =	sor.u32 @!p0 s5, s7;
	[sflag:s6] =	ssyncadd.s32 @!p0 $0xFFFFFFFF  }
0xb3: {  	s25 =	simm.s32 $0x1B8E;
	s24 =	sld [smem:$0x3FFE];
	[sflag:s5] =	ssyncadd.remote.s32 @!p0 $0x1  }
0xb4: {  	s26 =	simm.s32 $execute0_lowered;
	[smem:$0x3FD2] =	sst s25  }
0xb5: {  	s6 =	sshll.u32 s26, $0x1;
	_ =	strace $0x80000049;
	[dreg:$0x1] =	wrdreg $0xFFFFFFFF  }
0xb6: {  	s28 =	simm.s32 $_size_execute0_lowered;
	s4 =	sadd.s32 s4, s6;
	[dreg:$0x0] =	wrdreg $0x0  }
0xb7: {  	s6 =	sshll.u32 s28, $0x1;
	[dreg:$0x2] =	wrdreg s4  }
0xb8: {  	[dreg:$0x3] =	wrdreg s6  }
0xb9: {  	[dreg:$0x4] =	wrdreg $0xC0  }
0xba: {  	_ =	task [dreg:s22], $0x5FFFF  }
0xbb: {  	[dreg:$0x1] =	wrdreg $0xFFFFFFFF  }
0xbc: {  	[dreg:$0x0] =	wrdreg $0x60  }
0xbd: {  	[dreg:$0x2] =	wrdreg s18  }
0xbe: {  	[dreg:$0x3] =	wrdreg s24  }
0xbf: {  	[dreg:$0x4] =	wrdreg $0x9  }
0xc0: {  	_ =	task.clear_ibuf [dreg:s22], $0x5FFFF;
	_ =	strace $0x90000049  }
0xc1: {  	s29 =	simm.s32 $0x9;
	_ =	strace $0x8000004B  }
0xc2: {  	_ =	swait.ge [sflag:s29], $0x1  }
0xc3: {  	[sflag:s29] =	ssyncadd.s32 $0xFFFFFFFF  }
0xc4: {  	_ =	strace $0x9000004B  }
0xc5: {  	_ =	sfence  }
0xc6: {  	s30 =	sld [smem:$0x0];
	_ =	sdelay $0x2  }
0xc7: {  	s31 =	sshll.u32 s1, $0xD;
	s1 =	sshrl.u32 s1, $0x2  }
0xc8: {  	s4 =	sand.u32 $0x4000, s31;
	s1 =	sadd.s32 s1, s30  }
0xc9: {  	s0 =	sor.u32 s4, s0;
	s1 =	sshll.u32 s1, $0x11  }
0xca: {  	s0 =	sor.u32 s1, s0  }
0xcb: {  	s0 =	sadd.s32 $0x8F2B, s0  }
0xcc: {  	[sflag:s0] =	ssyncadd.remote.s32 $0x1  }
0xcd: {  	_ =	sfence.sel $0xFFFF  }
0xce: {  	[dreg:$0x0] =	wrdreg $0xFFFFFFFF;
	(pc) =	sbr.abs _section_cstart, $3  }
0xcf: {  	[dreg:$0x1] =	wrdreg $0xFFFFFFFF  }
0xd0: {  	_ =	task.clear_ibuf [dreg:s22], $0x2FFFF;
	_ =	strace $0x9FFFFFFF  }
0xd1: {  	(tm) =	ssettm $0x7FFFFFFF  }
tec
execute0_lowered:
.L_overlay_start_1:
0x0: {  	(tag) =	ssettag $0x1  }
0x1: {  	s13 =	rddreg [dreg:$0x0]  }
0x2: {  	s8 =	rddreg [dreg:$0x1]  }
0x3: {  	s0 =	rddreg [dreg:$0x2];
	s2 =	simm.s32 $0x0;
	s3 =	srdreg.scid  }
0x4: {  	s1 =	stileid.u32;
	s18 =	simm.s32 $0x880;
	s19 =	simm.s32 $0x1080  }
0x5: {  	s20 =	simm.s32 $0x1880;
	s21 =	simm.s32 $0x2080;
	s22 =	simm.s32 $0x2880  }
0x6: {  	s23 =	simm.s32 $0x3080;
	s24 =	simm.s32 $0x3880;
	s25 =	simm.s32 $0x1  }
0x7: {  	[smem:$0x7FF] =	sst s2;
	s3 =	sand.u32 $0x1, s3;
	s4 =	sshll.u32 s1, $0x7  }
0x8: {  	s14 =	sadd.s32 $0x84600, s8;
	s7 =	sadd.s32 $0x84A00, s8;
	s5 =	sshll.u32 s3, $0x6  }
0x9: {  	_ =	strace $0x8000004A;
	s6 =	ssub.s32 $0x2, s3;
	s11 =	sor.u32 s5, s4  }
0xa: {  	s3 =	sadd.s32 $0x84800, s8;
	s28 =	sshrl.u32 s6, $0x1;
	s5 =	sshll.u32 s11, $0x7  }
0xb: {  	s15 =	ssub.s32 s6, s28;
	s29 =	sshrl.u32 s11, $0x3;
	s6 =	sadd.s32 $0x84900, s8  }
0xc: {  	s10 =	sor.u32 $0x10, s11;
	s8 =	sadd.s32 $0x84B00, s8;
	s12 =	sor.u32 $0x20, s11  }
0xd: {  	s17 =	sor.u32 $0x30, s11;
	s4 =	sadd.s32 s13, s5;
	s5 =	sadd.s32 s14, s29  }
0xe: {  	s9 =	sshll.u32 s10, $0x7;
	s10 =	sshrl.u32 s10, $0x3;
	s16 =	sshll.u32 s12, $0x7  }
0xf: {  	s12 =	sshrl.u32 s12, $0x3;
	s30 =	sshll.u32 s17, $0x7;
	s31 =	sshrl.u32 s17, $0x3  }
0x10: {  	v2 =	vlaneseq.u32;
	s15 =	smax.u32 s15, $0x1;
	s17 =	simm.s32 $0x2;
	s9 =	sadd.s32 s13, s9  }
0x11: {  	vm0 =	vmmov $0xffff;
	v1 =	vshrl.u32 v2, $0x3;
	s10 =	sadd.s32 s14, s10;
	s11 =	sadd.s32 s13, s16;
	s12 =	sadd.s32 s14, s12  }
0x12: {  	v0 =	vand.u32 $0x7, v2;
	v2 =	vor.u32 $0x8, v2;
	v1 =	vmul.u32 $0x8, v1;
	s13 =	sadd.s32 s13, s30;
	s14 =	sadd.s32 s14, s31;
	s16 =	simm.s32 $0x80  }
.LBB2_1:
0x13: {  	[tilespmem:s16], [sflag:$0x2] =	stream.linear.gather [hbm4b:s4+s2], $0x4000, $0x38;
	[tilespmem:$0x4080] =	vst v63  }
0x14: {  	_ =	swait.ge [sflag:s17], $0x4000  }
0x15: {  	[sflag:s17] =	ssyncset.done $0x0  }
0x16: {  	[sflag:s17] =	ssyncadd.s32 $0xFFFFC000  }
0x17: {  	[tilespmem:s2], [sflag:$0x2] =	stream.linear.gather [hbm4b:s5+s2], $0x10, $0x38;
	[tilespmem:$0x4080] =	vst v63  }
0x18: {  	_ =	swait.ge [sflag:s17], $0x10  }
0x19: {  	[sflag:s17] =	ssyncset.done $0x0  }
0x1a: {  	[sflag:s17] =	ssyncadd.s32 $0xFFFFFFF0  }
0x1b: {  	v3 =	vld [tilespmem:$0x0];
	_ =	sdelay $0x4  }
0x1c: {  	v4 =	vshll.u32 v3, $0x3  }
0x1d: {  	v3 =	vand.u32 $0x7, v3;
	v4 =	vand.u32 $0xFFFFFFC0, v4  }
0x1e: {  	v3 =	vor.u32 v3, v4  }
0x1f: {  	v4 =	vperm.xlane v3, v0;
	_ =	sdelay $0x1  }
0x20: {  	v4 =	vadd.s32 v1, v4;
	_ =	sdelay $0x4  }
0x21: {  	[hbm4b:s3+s2] =	stream.indirect_vreg.scatter [tilespmem:s16], [sflag:$0x1], $0x80, v4, vm0, $0xb8;
	[tilespmem:$0x4080] =	vst v63  }
0x22: {  	v3 =	vperm.xlane v3, v2  }
0x23: {  	[hbm4b:s6+s2] =	stream.indirect_vreg.scatter [tilespmem:s18], [sflag:$0x1], $0x80, v4, vm0, $0xb8;
	[tilespmem:$0x4080] =	vst v63  }
0x24: {  	v3 =	vadd.s32 v1, v3  }
0x25: {  	[hbm4b:s7+s2] =	stream.indirect_vreg.scatter [tilespmem:s19], [sflag:$0x1], $0x80, v4, vm0, $0xb8;
	[tilespmem:$0x4080] =	vst v63  }
0x26: {  	_ = 	snop  }
0x27: {  	[hbm4b:s8+s2] =	stream.indirect_vreg.scatter [tilespmem:s20], [sflag:$0x1], $0x80, v4, vm0, $0xb8;
	[tilespmem:$0x4080] =	vst v63  }
0x28: {  	_ = 	snop  }
0x29: {  	[hbm4b:s3+s2] =	stream.indirect_vreg.scatter [tilespmem:s21], [sflag:$0x1], $0x80, v3, vm0, $0xb8;
	[tilespmem:$0x4080] =	vst v63  }
0x2a: {  	_ = 	snop  }
0x2b: {  	[hbm4b:s6+s2] =	stream.indirect_vreg.scatter [tilespmem:s22], [sflag:$0x1], $0x80, v3, vm0, $0xb8;
	[tilespmem:$0x4080] =	vst v63  }
0x2c: {  	_ = 	snop  }
0x2d: {  	[hbm4b:s7+s2] =	stream.indirect_vreg.scatter [tilespmem:s23], [sflag:$0x1], $0x80, v3, vm0, $0xb8;
	[tilespmem:$0x4080] =	vst v63  }
0x2e: {  	_ = 	snop  }
0x2f: {  	[hbm4b:s8+s2] =	stream.indirect_vreg.scatter [tilespmem:s24], [sflag:$0x1], $0x80, v3, vm0, $0xb8;
	[tilespmem:$0x4080] =	vst v63  }
0x30: {  	_ =	swait.ge [sflag:s25], $0x4000  }
0x31: {  	[sflag:s25] =	ssyncset.done $0x0  }
0x32: {  	[sflag:s25] =	ssyncadd.s32 $0xFFFFC000  }
0x33: {  	[tilespmem:s16], [sflag:$0x2] =	stream.linear.gather [hbm4b:s9+s2], $0x4000, $0x38;
	[tilespmem:$0x4080] =	vst v63  }
0x34: {  	_ =	swait.ge [sflag:s17], $0x4000  }
0x35: {  	[sflag:s17] =	ssyncset.done $0x0  }
0x36: {  	[sflag:s17] =	ssyncadd.s32 $0xFFFFC000  }
0x37: {  	[tilespmem:s2], [sflag:$0x2] =	stream.linear.gather [hbm4b:s10+s2], $0x10, $0x38;
	[tilespmem:$0x4080] =	vst v63  }
0x38: {  	_ =	swait.ge [sflag:s17], $0x10  }
0x39: {  	[sflag:s17] =	ssyncset.done $0x0  }
0x3a: {  	[sflag:s17] =	ssyncadd.s32 $0xFFFFFFF0  }
0x3b: {  	v3 =	vld [tilespmem:$0x0];
	_ =	sdelay $0x4  }
0x3c: {  	v61 =	vshll.u32 v3, $0x3  }
0x3d: {  	v3 =	vand.u32 $0x7, v3;
	v4 =	vand.u32 $0xFFFFFFC0, v61  }
0x3e: {  	v3 =	vor.u32 v3, v4  }
0x3f: {  	v4 =	vperm.xlane v3, v0;
	_ =	sdelay $0x1  }
0x40: {  	v4 =	vadd.s32 v1, v4;
	_ =	sdelay $0x4  }
0x41: {  	[hbm4b:s3+s2] =	stream.indirect_vreg.scatter [tilespmem:s16], [sflag:$0x1], $0x80, v4, vm0, $0xb8;
	[tilespmem:$0x4080] =	vst v63  }
0x42: {  	v3 =	vperm.xlane v3, v2  }
0x43: {  	[hbm4b:s6+s2] =	stream.indirect_vreg.scatter [tilespmem:s18], [sflag:$0x1], $0x80, v4, vm0, $0xb8;
	[tilespmem:$0x4080] =	vst v63  }
0x44: {  	v3 =	vadd.s32 v1, v3  }
0x45: {  	[hbm4b:s7+s2] =	stream.indirect_vreg.scatter [tilespmem:s19], [sflag:$0x1], $0x80, v4, vm0, $0xb8;
	[tilespmem:$0x4080] =	vst v63  }
0x46: {  	_ = 	snop  }
0x47: {  	[hbm4b:s8+s2] =	stream.indirect_vreg.scatter [tilespmem:s20], [sflag:$0x1], $0x80, v4, vm0, $0xb8;
	[tilespmem:$0x4080] =	vst v63  }
0x48: {  	_ = 	snop  }
0x49: {  	[hbm4b:s3+s2] =	stream.indirect_vreg.scatter [tilespmem:s21], [sflag:$0x1], $0x80, v3, vm0, $0xb8;
	[tilespmem:$0x4080] =	vst v63  }
0x4a: {  	_ = 	snop  }
0x4b: {  	[hbm4b:s6+s2] =	stream.indirect_vreg.scatter [tilespmem:s22], [sflag:$0x1], $0x80, v3, vm0, $0xb8;
	[tilespmem:$0x4080] =	vst v63  }
0x4c: {  	_ = 	snop  }
0x4d: {  	[hbm4b:s7+s2] =	stream.indirect_vreg.scatter [tilespmem:s23], [sflag:$0x1], $0x80, v3, vm0, $0xb8;
	[tilespmem:$0x4080] =	vst v63  }
0x4e: {  	_ = 	snop  }
0x4f: {  	[hbm4b:s8+s2] =	stream.indirect_vreg.scatter [tilespmem:s24], [sflag:$0x1], $0x80, v3, vm0, $0xb8;
	[tilespmem:$0x4080] =	vst v63  }
0x50: {  	_ =	swait.ge [sflag:s25], $0x4000  }
0x51: {  	[sflag:s25] =	ssyncset.done $0x0  }
0x52: {  	[sflag:s25] =	ssyncadd.s32 $0xFFFFC000  }
0x53: {  	[tilespmem:s16], [sflag:$0x2] =	stream.linear.gather [hbm4b:s11+s2], $0x4000, $0x38;
	[tilespmem:$0x4080] =	vst v63  }
0x54: {  	_ =	swait.ge [sflag:s17], $0x4000  }
0x55: {  	[sflag:s17] =	ssyncset.done $0x0  }
0x56: {  	[sflag:s17] =	ssyncadd.s32 $0xFFFFC000  }
0x57: {  	[tilespmem:s2], [sflag:$0x2] =	stream.linear.gather [hbm4b:s12+s2], $0x10, $0x38;
	[tilespmem:$0x4080] =	vst v63  }
0x58: {  	_ =	swait.ge [sflag:s17], $0x10  }
0x59: {  	[sflag:s17] =	ssyncset.done $0x0  }
0x5a: {  	[sflag:s17] =	ssyncadd.s32 $0xFFFFFFF0  }
0x5b: {  	v3 =	vld [tilespmem:$0x0];
	_ =	sdelay $0x4  }
0x5c: {  	v62 =	vshll.u32 v3, $0x3  }
0x5d: {  	v3 =	vand.u32 $0x7, v3;
	v4 =	vand.u32 $0xFFFFFFC0, v62  }
0x5e: {  	v3 =	vor.u32 v3, v4  }
0x5f: {  	v4 =	vperm.xlane v3, v0;
	_ =	sdelay $0x1  }
0x60: {  	v4 =	vadd.s32 v1, v4;
	_ =	sdelay $0x4  }
0x61: {  	[hbm4b:s3+s2] =	stream.indirect_vreg.scatter [tilespmem:s16], [sflag:$0x1], $0x80, v4, vm0, $0xb8;
	[tilespmem:$0x4080] =	vst v63  }
0x62: {  	v3 =	vperm.xlane v3, v2  }
0x63: {  	[hbm4b:s6+s2] =	stream.indirect_vreg.scatter [tilespmem:s18], [sflag:$0x1], $0x80, v4, vm0, $0xb8;
	[tilespmem:$0x4080] =	vst v63  }
0x64: {  	v3 =	vadd.s32 v1, v3  }
0x65: {  	[hbm4b:s7+s2] =	stream.indirect_vreg.scatter [tilespmem:s19], [sflag:$0x1], $0x80, v4, vm0, $0xb8;
	[tilespmem:$0x4080] =	vst v63  }
0x66: {  	_ = 	snop  }
0x67: {  	[hbm4b:s8+s2] =	stream.indirect_vreg.scatter [tilespmem:s20], [sflag:$0x1], $0x80, v4, vm0, $0xb8;
	[tilespmem:$0x4080] =	vst v63  }
0x68: {  	_ = 	snop  }
0x69: {  	[hbm4b:s3+s2] =	stream.indirect_vreg.scatter [tilespmem:s21], [sflag:$0x1], $0x80, v3, vm0, $0xb8;
	[tilespmem:$0x4080] =	vst v63  }
0x6a: {  	_ = 	snop  }
0x6b: {  	[hbm4b:s6+s2] =	stream.indirect_vreg.scatter [tilespmem:s22], [sflag:$0x1], $0x80, v3, vm0, $0xb8;
	[tilespmem:$0x4080] =	vst v63  }
0x6c: {  	_ = 	snop  }
0x6d: {  	[hbm4b:s7+s2] =	stream.indirect_vreg.scatter [tilespmem:s23], [sflag:$0x1], $0x80, v3, vm0, $0xb8;
	[tilespmem:$0x4080] =	vst v63  }
0x6e: {  	_ = 	snop  }
0x6f: {  	[hbm4b:s8+s2] =	stream.indirect_vreg.scatter [tilespmem:s24], [sflag:$0x1], $0x80, v3, vm0, $0xb8;
	[tilespmem:$0x4080] =	vst v63  }
0x70: {  	_ =	swait.ge [sflag:s25], $0x4000  }
0x71: {  	[sflag:s25] =	ssyncset.done $0x0  }
0x72: {  	[sflag:s25] =	ssyncadd.s32 $0xFFFFC000  }
0x73: {  	[tilespmem:s16], [sflag:$0x2] =	stream.linear.gather [hbm4b:s13+s2], $0x4000, $0x38;
	[tilespmem:$0x4080] =	vst v63  }
0x74: {  	_ =	swait.ge [sflag:s17], $0x4000  }
0x75: {  	[sflag:s17] =	ssyncset.done $0x0  }
0x76: {  	[sflag:s17] =	ssyncadd.s32 $0xFFFFC000  }
0x77: {  	[tilespmem:s2], [sflag:$0x2] =	stream.linear.gather [hbm4b:s14+s2], $0x10, $0x38;
	[tilespmem:$0x4080] =	vst v63  }
0x78: {  	_ =	swait.ge [sflag:s17], $0x10  }
0x79: {  	[sflag:s17] =	ssyncset.done $0x0  }
0x7a: {  	[sflag:s17] =	ssyncadd.s32 $0xFFFFFFF0  }
0x7b: {  	v3 =	vld [tilespmem:$0x0];
	_ =	sdelay $0x4  }
0x7c: {  	v63 =	vshll.u32 v3, $0x3  }
0x7d: {  	v3 =	vand.u32 $0x7, v3;
	v4 =	vand.u32 $0xFFFFFFC0, v63  }
0x7e: {  	v3 =	vor.u32 v3, v4  }
0x7f: {  	v4 =	vperm.xlane v3, v0;
	_ =	sdelay $0x1  }
0x80: {  	v4 =	vadd.s32 v1, v4;
	_ =	sdelay $0x4  }
0x81: {  	[hbm4b:s3+s2] =	stream.indirect_vreg.scatter [tilespmem:s16], [sflag:$0x1], $0x80, v4, vm0, $0xb8;
	[tilespmem:$0x4080] =	vst v63  }
0x82: {  	v3 =	vperm.xlane v3, v2  }
0x83: {  	[hbm4b:s6+s2] =	stream.indirect_vreg.scatter [tilespmem:s18], [sflag:$0x1], $0x80, v4, vm0, $0xb8;
	[tilespmem:$0x4080] =	vst v63  }
0x84: {  	v3 =	vadd.s32 v1, v3  }
0x85: {  	[hbm4b:s7+s2] =	stream.indirect_vreg.scatter [tilespmem:s19], [sflag:$0x1], $0x80, v4, vm0, $0xb8;
	[tilespmem:$0x4080] =	vst v63  }
0x86: {  	_ = 	snop  }
0x87: {  	[hbm4b:s8+s2] =	stream.indirect_vreg.scatter [tilespmem:s20], [sflag:$0x1], $0x80, v4, vm0, $0xb8;
	[tilespmem:$0x4080] =	vst v63  }
0x88: {  	_ = 	snop  }
0x89: {  	[hbm4b:s3+s2] =	stream.indirect_vreg.scatter [tilespmem:s21], [sflag:$0x1], $0x80, v3, vm0, $0xb8;
	[tilespmem:$0x4080] =	vst v63  }
0x8a: {  	_ = 	snop  }
0x8b: {  	[hbm4b:s6+s2] =	stream.indirect_vreg.scatter [tilespmem:s22], [sflag:$0x1], $0x80, v3, vm0, $0xb8;
	[tilespmem:$0x4080] =	vst v63  }
0x8c: {  	p0 =	sne.s32 s15, $0x1  }
0x8d: {  	[hbm4b:s7+s2] =	stream.indirect_vreg.scatter [tilespmem:s23], [sflag:$0x1], $0x80, v3, vm0, $0xb8;
	[tilespmem:$0x4080] =	vst v63  }
.Ltmp0:
0x8e: {  	_ = 	snop;
	(pc) =	sbr.rel @p0 .LBB2_1-.Ltmp0, $4  }
0x8f: {  	[hbm4b:s8+s2] =	stream.indirect_vreg.scatter [tilespmem:s24], [sflag:$0x1], $0x80, v3, vm0, $0xb8;
	[tilespmem:$0x4080] =	vst v63  }
0x90: {  	_ =	swait.ge [sflag:s25], $0x4000  }
0x91: {  	[sflag:s25] =	ssyncset.done $0x0  }
0x92: {  	s15 =	sadd.s32 $0xFFFFFFFF, s15;
	[sflag:s25] =	ssyncadd.s32 $0xFFFFC000  }
0x93: {  	_ =	sfence.sel $0x180000  }
0x94: {  	[bflag:$0x0] =	sbarrier.arrive $0xFFFF  }
0x95: {  	p0 =	sne.s32 s1, $0x0;
	_ =	strace $0x9000004A  }
0x96: {  	s0 =	sadd.s32 @!p0 $0x100000, s0;
	[bflag:$0x2] =	sbarrier.arrive $0xFFFF  }
0x97: {  	[sflag:s0] =	ssyncadd.tile.s32 @!p0 $0x1;
	_ =	shalt  }
.Lfunc_end2:
_tile_overlayer_lowered:
.L_overlay_start_2:
0x98: {  	(tag) =	ssettag $0x2  }
0x99: {  	s0 =	rddreg [dreg:$0x0];
	s2 =	stileid.u32  }
0x9a: {  	s1 =	rddreg [dreg:$0x1];
	p0 =	sne.s32 s2, $0x0  }
0x9b: {  	s3 =	rddreg [dreg:$0x2];
	[bflag:$0x3] =	sbarrier.arrive $0xFFFF;
	s2 =	simm.s32 @!p0 $0x1C02  }
0x9c: {  	[timem:s3], [sflag:s2] =	dma.local @!p0 [hbm:s0], s1  }
0x9d: {  	s0 =	simm.s32 @!p0 $0x2  }
0x9e: {  	_ =	swait.ge @!p0 [sflag:s0], s1  }
0x9f: {  	s1 =	ssub.s32 @!p0 $0x0, s1;
	[sflag:s0] =	ssyncset.done @!p0 $0x0  }
0xa0: {  	[sflag:s0] =	ssyncadd.s32 @!p0 s1  }
0xa1: {  	[bflag:$0x3] =	sbarrier.arrive $0xFFFF  }
0xa2: {  	_ =	shalt  }

</sc_bundles>
